<compile_context>
chip_gen: v7x
topology: tpu7x:2x2x1
jax: 0.10.2.dev20260603
libtpu: 0.0.44.dev20260713+nightly
codegen_flags: <defaults>
</compile_context>

<pallas_src>
import functools

import jax
import jax.numpy as jnp
from jax import lax
from jax.experimental import pallas as pl
from jax.experimental.pallas import tpu as pltpu
from jax.experimental.pallas import tpu_sc as plsc

M = 65536
B = 8192
D = 128
BM = 2048
NW = 32
CHS = B // NW


def _sc_body(f1, f2, f3, f4, f5, f6, ptr_hbm, out_hbm, buf, ptr_vmem):
    wid = lax.axis_index("s") * 2 + lax.axis_index("c")
    pltpu.sync_copy(ptr_hbm, ptr_vmem)
    ptr = ptr_vmem[...][0]
    j0 = pl.multiple_of(wid * CHS, CHS)
    d0 = pl.multiple_of((ptr + j0) % M, CHS)
    fs = (f1, f2, f3, f4, f5, f6)
    for k in range(6):
        pltpu.sync_copy(fs[k].at[pl.ds(j0, CHS), :], buf)
        pltpu.sync_copy(buf, out_hbm.at[k, pl.ds(d0, CHS), :])


@functools.partial(
    pl.kernel,
    out_type=jax.ShapeDtypeStruct((6, M, D), jnp.float32),
    mesh=plsc.VectorSubcoreMesh(core_axis_name="c", subcore_axis_name="s"),
    scratch_types=[
        pltpu.VMEM((CHS, D), jnp.float32),
        pltpu.VMEM((16,), jnp.int32),
    ],
)
def _sc_fill(*refs):
    _sc_body(*refs)


def _tc_body(ptr_ref, scout, q1, q2, q3, q4, q5, q6, out_ref):
    i = pl.program_id(0)
    over = ((i * BM - ptr_ref[0]) % M) < B
    qs = (q1, q2, q3, q4, q5, q6)

    @pl.when(jnp.logical_not(over))
    def _():
        for k in range(6):
            out_ref[k, :, :] = qs[k][:, :]


def _prev_good(i, ptr_ref):
    over = ((i * BM - ptr_ref[0]) % M) < B
    prev = (ptr_ref[0] // BM - 1) % (M // BM)
    return jnp.where(over, prev, i)


def _q_index(i, ptr_ref):
    return (_prev_good(i, ptr_ref), 0)


def _out_index(i, ptr_ref):
    return (0, _prev_good(i, ptr_ref), 0)


@jax.jit
def kernel(p1_queue, r1_queue, p2_queue, r2_queue, p3_queue, r3_queue,
           feat_p1, feat_r1, feat_p2, feat_r2, feat_p3, feat_r3, ptr):
    ptr_arr = jnp.asarray(ptr, jnp.int32).reshape((1,))
    ptr16 = jnp.full((16,), jnp.asarray(ptr, jnp.int32), dtype=jnp.int32)
    sc_out = _sc_fill(feat_p1, feat_r1, feat_p2, feat_r2, feat_p3, feat_r3,
                      ptr16)
    q_spec = pl.BlockSpec((BM, D), _q_index)
    grid_spec = pltpu.PrefetchScalarGridSpec(
        num_scalar_prefetch=1,
        grid=(M // BM,),
        in_specs=[pl.BlockSpec(memory_space=pl.ANY)] + [q_spec] * 6,
        out_specs=pl.BlockSpec((6, BM, D), _out_index),
    )
    return pl.pallas_call(
        _tc_body,
        grid_spec=grid_spec,
        out_shape=jax.ShapeDtypeStruct((6, M, D), jnp.float32),
        input_output_aliases={1: 0},
        compiler_params=pltpu.CompilerParams(
            dimension_semantics=("arbitrary",),
        ),
    )(ptr_arr, sc_out,
      p1_queue, r1_queue, p2_queue, r2_queue, p3_queue, r3_queue)

# --- scband reference (transcript-rebuilt; emitter-appended) ---
"""Pipeline reference for scband-musicmodel-22728966930980 (READ-ONLY COPY).

The authoritative reference and input builder live on the scoring server;
editing this copy changes nothing except your own understanding.
"""

import jax, jax.numpy as jnp
import numpy as np

QUEUE_SIZE = 65536
BATCH = 8192
DIM = 128


def setup_inputs(seed: int = 0) -> dict:
    key = jax.random.key(seed)
    ks = jax.random.split(key, 12)
    names_q = ["p1_queue", "r1_queue", "p2_queue", "r2_queue", "p3_queue", "r3_queue"]
    names_f = ["feat_p1", "feat_r1", "feat_p2", "feat_r2", "feat_p3", "feat_r3"]
    inp = {}
    for i, n in enumerate(names_q):
        inp[n] = jax.random.normal(ks[i], (QUEUE_SIZE, DIM), dtype=jnp.float32)
    for i, n in enumerate(names_f):
        inp[n] = jax.random.normal(ks[6 + i], (BATCH, DIM), dtype=jnp.float32)
    inp["ptr"] = 61440
    return inp


def reference(p1_queue, r1_queue, p2_queue, r2_queue, p3_queue, r3_queue,
              feat_p1, feat_r1, feat_p2, feat_r2, feat_p3, feat_r3, ptr):
    # Faithful JAX translation of the six MoCo-style queue updates
    # (update_p1queue4 ... update_r3queue4): scatter-overwrite a batch of
    # feature rows into each circular memory queue starting at ptr,
    # wrapping modulo queue_size (equivalent to the torch slice-assign
    # mem[ptr:ptr+B, :] = feat with circular addressing).
    B = feat_p1.shape[0]
    M = p1_queue.shape[0]
    idx = (jnp.asarray(ptr, dtype=jnp.int32) + jnp.arange(B, dtype=jnp.int32)) % M

    def upd(q, f):
        return q.at[idx].set(f)

    out = jnp.stack([
        upd(p1_queue, feat_p1),
        upd(r1_queue, feat_r1),
        upd(p2_queue, feat_p2),
        upd(r2_queue, feat_r2),
        upd(p3_queue, feat_p3),
        upd(r3_queue, feat_r3),
    ], axis=0)
    return out

if __name__ == "__main__":
    import jax
    _d = setup_inputs()
    print(jax.jit(kernel)(*tuple(_d.values())))

</pallas_src>

<mosaic_0001>
#map = affine_map<(d0, d1) -> (0, 0)>
#map1 = affine_map<(d0, d1) -> (0)>
#map2 = affine_map<(d0, d1) -> (0, 0, 0)>
module attributes {stable_mosaic.version = 14 : i64} {
  func.func @_sc_fill(%arg0: i32, %arg1: i32, %arg2: memref<8192x128xf32, #tpu.memory_space<hbm>>, %arg3: memref<8192x128xf32, #tpu.memory_space<hbm>>, %arg4: memref<8192x128xf32, #tpu.memory_space<hbm>>, %arg5: memref<8192x128xf32, #tpu.memory_space<hbm>>, %arg6: memref<8192x128xf32, #tpu.memory_space<hbm>>, %arg7: memref<8192x128xf32, #tpu.memory_space<hbm>>, %arg8: memref<16xi32, #tpu.memory_space<hbm>>, %arg9: memref<6x65536x128xf32, #tpu.memory_space<hbm>>, %arg10: memref<256x128xf32, #tpu.memory_space<vmem>>, %arg11: memref<16xi32, #tpu.memory_space<vmem>>) attributes {dimension_semantics = [#tpu.dimension_semantics<core_parallel>, #tpu.dimension_semantics<subcore_parallel>], iteration_bounds = array<i64: 2, 16>, scalar_prefetch = 0 : i64, scratch_operands = 2 : i64, tpu.core_type = #tpu.core_type<sc_vector_subcore>, window_params = [{transform_indices = #map}, {transform_indices = #map}, {transform_indices = #map}, {transform_indices = #map}, {transform_indices = #map}, {transform_indices = #map}, {transform_indices = #map1}, {transform_indices = #map2}]} {
    %mul3A = arith.constant 2 : i32
    %mul3A_0 = arith.muli %arg1, %mul3A : i32
    %add3A = arith.addi %mul3A_0, %arg0 : i32
    "tpu.region"() ({
      %run_scoped3A_21 = tpu.sem_alloc : memref<!tpu.dma_semaphore, #tpu.memory_space<semaphore_mem>>
      tpu.enqueue_dma source(%arg8 : memref<16xi32, #tpu.memory_space<hbm>>) target(%arg11 : memref<16xi32, #tpu.memory_space<vmem>>) target_semaphore(%run_scoped3A_21 : memref<!tpu.dma_semaphore, #tpu.memory_space<semaphore_mem>>)
      tpu.wait_dma2 semaphore(%run_scoped3A_21 : memref<!tpu.dma_semaphore, #tpu.memory_space<semaphore_mem>>) src(%arg8 : memref<16xi32, #tpu.memory_space<hbm>>) dst(%arg11 : memref<16xi32, #tpu.memory_space<vmem>>)
      tpu.yield
    }) : () -> ()
    %get3A = arith.constant 0 : index
    %get3A_1 = tpu.vector_load %arg11[%get3A] {strides = array<i32>} : memref<16xi32, #tpu.memory_space<vmem>>, vector<16xi32>,
    %get3A_2 = vector.shape_cast %get3A_1 : vector<16xi32> to vector<16xi32>
    %slice3A = vector.extract_strided_slice %get3A_2 {offsets = [0], sizes = [1], strides = [1]} : vector<16xi32> to vector<1xi32>
    %squeeze3A = vector.extract %slice3A[0] : i32 from vector<1xi32>
    %mul3A_3 = arith.constant 256 : i32
    %mul3A_4 = arith.muli %add3A, %mul3A_3 : i32
    %multiple_of3A = tpu.assume_multiple %mul3A_4, 256 : i32
    %add3A_5 = arith.addi %squeeze3A, %multiple_of3A : i32
    %jit3A = arith.constant 65536 : i32
    %eq3A = arith.constant 0 : i32
    %eq3A_6 = arith.cmpi eq, %jit3A, %eq3A : i32
    %jit3A_7 = arith.constant 1 : i32
    %select_n3A = arith.select %eq3A_6, %jit3A_7, %jit3A : i32
    %rem3A = arith.remsi %add3A_5, %select_n3A : i32
    %ne3A = arith.constant 0 : i32
    %ne3A_8 = arith.cmpi ne, %rem3A, %ne3A : i32
    %lt3A = arith.constant 0 : i32
    %lt3A_9 = arith.cmpi slt, %rem3A, %lt3A : i32
    %lt3A_10 = arith.constant 0 : i32
    %lt3A_11 = arith.cmpi slt, %select_n3A, %lt3A_10 : i32
    %ne3A_12 = arith.xori %lt3A_9, %lt3A_11 : i1
    %and3A = arith.andi %ne3A_12, %ne3A_8 : i1
    %add3A_13 = arith.addi %rem3A, %select_n3A : i32
    %select_n3A_14 = arith.select %and3A, %add3A_13, %rem3A : i32
    %multiple_of3A_15 = tpu.assume_multiple %select_n3A_14, 256 : i32
    "tpu.region"() ({
      %run_scoped3A_21 = tpu.sem_alloc : memref<!tpu.dma_semaphore, #tpu.memory_space<semaphore_mem>>
      %dma_start3A = arith.constant 0 : i32
      %dma_start3A_22 = tpu.memref_slice %arg2[%multiple_of3A, %dma_start3A] : memref<8192x128xf32, #tpu.memory_space<hbm>> -> memref<256x128xf32, #tpu.memory_space<hbm>>
      %dma_start3A_23 = arith.constant 0 : i32
      %dma_start3A_24 = tpu.memref_slice %arg2[%multiple_of3A, %dma_start3A_23] : memref<8192x128xf32, #tpu.memory_space<hbm>> -> memref<256x128xf32, #tpu.memory_space<hbm>>
      tpu.enqueue_dma source(%dma_start3A_24 : memref<256x128xf32, #tpu.memory_space<hbm>>) target(%arg10 : memref<256x128xf32, #tpu.memory_space<vmem>>) target_semaphore(%run_scoped3A_21 : memref<!tpu.dma_semaphore, #tpu.memory_space<semaphore_mem>>)
      %dma_wait3A = arith.constant 0 : i32
      %dma_wait3A_25 = tpu.memref_slice %arg2[%multiple_of3A, %dma_wait3A] : memref<8192x128xf32, #tpu.memory_space<hbm>> -> memref<256x128xf32, #tpu.memory_space<hbm>>
      %dma_wait3A_26 = arith.constant 0 : i32
      %dma_wait3A_27 = tpu.memref_slice %arg2[%multiple_of3A, %dma_wait3A_26] : memref<8192x128xf32, #tpu.memory_space<hbm>> -> memref<256x128xf32, #tpu.memory_space<hbm>>
      tpu.wait_dma2 semaphore(%run_scoped3A_21 : memref<!tpu.dma_semaphore, #tpu.memory_space<semaphore_mem>>) src(%dma_wait3A_27 : memref<256x128xf32, #tpu.memory_space<hbm>>) dst(%arg10 : memref<256x128xf32, #tpu.memory_space<vmem>>)
      tpu.yield
    }) : () -> ()
    %run_scoped3A = arith.constant 0 : i32
    "tpu.region"() ({
      %run_scoped3A_21 = tpu.sem_alloc : memref<!tpu.dma_semaphore, #tpu.memory_space<semaphore_mem>>
      %dma_start3A = arith.constant 0 : i32
      %dma_start3A_22 = tpu.memref_slice %arg9[%run_scoped3A, %multiple_of3A_15, %dma_start3A] : memref<6x65536x128xf32, #tpu.memory_space<hbm>> -> memref<1x256x128xf32, #tpu.memory_space<hbm>>
      %dma_start3A_23 = tpu.memref_squeeze %dma_start3A_22 : memref<1x256x128xf32, #tpu.memory_space<hbm>> -> memref<256x128xf32, #tpu.memory_space<hbm>>
      %dma_start3A_24 = arith.constant 0 : i32
      %dma_start3A_25 = tpu.memref_slice %arg9[%run_scoped3A, %multiple_of3A_15, %dma_start3A_24] : memref<6x65536x128xf32, #tpu.memory_space<hbm>> -> memref<1x256x128xf32, #tpu.memory_space<hbm>>
      %dma_start3A_26 = tpu.memref_squeeze %dma_start3A_25 : memref<1x256x128xf32, #tpu.memory_space<hbm>> -> memref<256x128xf32, #tpu.memory_space<hbm>>
      tpu.enqueue_dma source(%arg10 : memref<256x128xf32, #tpu.memory_space<vmem>>) target(%dma_start3A_26 : memref<256x128xf32, #tpu.memory_space<hbm>>) target_semaphore(%run_scoped3A_21 : memref<!tpu.dma_semaphore, #tpu.memory_space<semaphore_mem>>)
      %dma_wait3A = arith.constant 0 : i32
      %dma_wait3A_27 = tpu.memref_slice %arg9[%run_scoped3A, %multiple_of3A_15, %dma_wait3A] : memref<6x65536x128xf32, #tpu.memory_space<hbm>> -> memref<1x256x128xf32, #tpu.memory_space<hbm>>
      %dma_wait3A_28 = tpu.memref_squeeze %dma_wait3A_27 : memref<1x256x128xf32, #tpu.memory_space<hbm>> -> memref<256x128xf32, #tpu.memory_space<hbm>>
      %dma_wait3A_29 = arith.constant 0 : i32
      %dma_wait3A_30 = tpu.memref_slice %arg9[%run_scoped3A, %multiple_of3A_15, %dma_wait3A_29] : memref<6x65536x128xf32, #tpu.memory_space<hbm>> -> memref<1x256x128xf32, #tpu.memory_space<hbm>>
      %dma_wait3A_31 = tpu.memref_squeeze %dma_wait3A_30 : memref<1x256x128xf32, #tpu.memory_space<hbm>> -> memref<256x128xf32, #tpu.memory_space<hbm>>
      tpu.wait_dma2 semaphore(%run_scoped3A_21 : memref<!tpu.dma_semaphore, #tpu.memory_space<semaphore_mem>>) src(%arg10 : memref<256x128xf32, #tpu.memory_space<vmem>>) dst(%dma_wait3A_31 : memref<256x128xf32, #tpu.memory_space<hbm>>)
      tpu.yield
    }) : () -> ()
    "tpu.region"() ({
      %run_scoped3A_21 = tpu.sem_alloc : memref<!tpu.dma_semaphore, #tpu.memory_space<semaphore_mem>>
      %dma_start3A = arith.constant 0 : i32
      %dma_start3A_22 = tpu.memref_slice %arg3[%multiple_of3A, %dma_start3A] : memref<8192x128xf32, #tpu.memory_space<hbm>> -> memref<256x128xf32, #tpu.memory_space<hbm>>
      %dma_start3A_23 = arith.constant 0 : i32
      %dma_start3A_24 = tpu.memref_slice %arg3[%multiple_of3A, %dma_start3A_23] : memref<8192x128xf32, #tpu.memory_space<hbm>> -> memref<256x128xf32, #tpu.memory_space<hbm>>
      tpu.enqueue_dma source(%dma_start3A_24 : memref<256x128xf32, #tpu.memory_space<hbm>>) target(%arg10 : memref<256x128xf32, #tpu.memory_space<vmem>>) target_semaphore(%run_scoped3A_21 : memref<!tpu.dma_semaphore, #tpu.memory_space<semaphore_mem>>)
      %dma_wait3A = arith.constant 0 : i32
      %dma_wait3A_25 = tpu.memref_slice %arg3[%multiple_of3A, %dma_wait3A] : memref<8192x128xf32, #tpu.memory_space<hbm>> -> memref<256x128xf32, #tpu.memory_space<hbm>>
      %dma_wait3A_26 = arith.constant 0 : i32
      %dma_wait3A_27 = tpu.memref_slice %arg3[%multiple_of3A, %dma_wait3A_26] : memref<8192x128xf32, #tpu.memory_space<hbm>> -> memref<256x128xf32, #tpu.memory_space<hbm>>
      tpu.wait_dma2 semaphore(%run_scoped3A_21 : memref<!tpu.dma_semaphore, #tpu.memory_space<semaphore_mem>>) src(%dma_wait3A_27 : memref<256x128xf32, #tpu.memory_space<hbm>>) dst(%arg10 : memref<256x128xf32, #tpu.memory_space<vmem>>)
      tpu.yield
    }) : () -> ()
    %run_scoped3A_16 = arith.constant 1 : i32
    "tpu.region"() ({
      %run_scoped3A_21 = tpu.sem_alloc : memref<!tpu.dma_semaphore, #tpu.memory_space<semaphore_mem>>
      %dma_start3A = arith.constant 0 : i32
      %dma_start3A_22 = tpu.memref_slice %arg9[%run_scoped3A_16, %multiple_of3A_15, %dma_start3A] : memref<6x65536x128xf32, #tpu.memory_space<hbm>> -> memref<1x256x128xf32, #tpu.memory_space<hbm>>
      %dma_start3A_23 = tpu.memref_squeeze %dma_start3A_22 : memref<1x256x128xf32, #tpu.memory_space<hbm>> -> memref<256x128xf32, #tpu.memory_space<hbm>>
      %dma_start3A_24 = arith.constant 0 : i32
      %dma_start3A_25 = tpu.memref_slice %arg9[%run_scoped3A_16, %multiple_of3A_15, %dma_start3A_24] : memref<6x65536x128xf32, #tpu.memory_space<hbm>> -> memref<1x256x128xf32, #tpu.memory_space<hbm>>
      %dma_start3A_26 = tpu.memref_squeeze %dma_start3A_25 : memref<1x256x128xf32, #tpu.memory_space<hbm>> -> memref<256x128xf32, #tpu.memory_space<hbm>>
      tpu.enqueue_dma source(%arg10 : memref<256x128xf32, #tpu.memory_space<vmem>>) target(%dma_start3A_26 : memref<256x128xf32, #tpu.memory_space<hbm>>) target_semaphore(%run_scoped3A_21 : memref<!tpu.dma_semaphore, #tpu.memory_space<semaphore_mem>>)
      %dma_wait3A = arith.constant 0 : i32
      %dma_wait3A_27 = tpu.memref_slice %arg9[%run_scoped3A_16, %multiple_of3A_15, %dma_wait3A] : memref<6x65536x128xf32, #tpu.memory_space<hbm>> -> memref<1x256x128xf32, #tpu.memory_space<hbm>>
      %dma_wait3A_28 = tpu.memref_squeeze %dma_wait3A_27 : memref<1x256x128xf32, #tpu.memory_space<hbm>> -> memref<256x128xf32, #tpu.memory_space<hbm>>
      %dma_wait3A_29 = arith.constant 0 : i32
      %dma_wait3A_30 = tpu.memref_slice %arg9[%run_scoped3A_16, %multiple_of3A_15, %dma_wait3A_29] : memref<6x65536x128xf32, #tpu.memory_space<hbm>> -> memref<1x256x128xf32, #tpu.memory_space<hbm>>
      %dma_wait3A_31 = tpu.memref_squeeze %dma_wait3A_30 : memref<1x256x128xf32, #tpu.memory_space<hbm>> -> memref<256x128xf32, #tpu.memory_space<hbm>>
      tpu.wait_dma2 semaphore(%run_scoped3A_21 : memref<!tpu.dma_semaphore, #tpu.memory_space<semaphore_mem>>) src(%arg10 : memref<256x128xf32, #tpu.memory_space<vmem>>) dst(%dma_wait3A_31 : memref<256x128xf32, #tpu.memory_space<hbm>>)
      tpu.yield
    }) : () -> ()
    "tpu.region"() ({
      %run_scoped3A_21 = tpu.sem_alloc : memref<!tpu.dma_semaphore, #tpu.memory_space<semaphore_mem>>
      %dma_start3A = arith.constant 0 : i32
      %dma_start3A_22 = tpu.memref_slice %arg4[%multiple_of3A, %dma_start3A] : memref<8192x128xf32, #tpu.memory_space<hbm>> -> memref<256x128xf32, #tpu.memory_space<hbm>>
      %dma_start3A_23 = arith.constant 0 : i32
      %dma_start3A_24 = tpu.memref_slice %arg4[%multiple_of3A, %dma_start3A_23] : memref<8192x128xf32, #tpu.memory_space<hbm>> -> memref<256x128xf32, #tpu.memory_space<hbm>>
      tpu.enqueue_dma source(%dma_start3A_24 : memref<256x128xf32, #tpu.memory_space<hbm>>) target(%arg10 : memref<256x128xf32, #tpu.memory_space<vmem>>) target_semaphore(%run_scoped3A_21 : memref<!tpu.dma_semaphore, #tpu.memory_space<semaphore_mem>>)
      %dma_wait3A = arith.constant 0 : i32
      %dma_wait3A_25 = tpu.memref_slice %arg4[%multiple_of3A, %dma_wait3A] : memref<8192x128xf32, #tpu.memory_space<hbm>> -> memref<256x128xf32, #tpu.memory_space<hbm>>
      %dma_wait3A_26 = arith.constant 0 : i32
      %dma_wait3A_27 = tpu.memref_slice %arg4[%multiple_of3A, %dma_wait3A_26] : memref<8192x128xf32, #tpu.memory_space<hbm>> -> memref<256x128xf32, #tpu.memory_space<hbm>>
      tpu.wait_dma2 semaphore(%run_scoped3A_21 : memref<!tpu.dma_semaphore, #tpu.memory_space<semaphore_mem>>) src(%dma_wait3A_27 : memref<256x128xf32, #tpu.memory_space<hbm>>) dst(%arg10 : memref<256x128xf32, #tpu.memory_space<vmem>>)
      tpu.yield
    }) : () -> ()
    %run_scoped3A_17 = arith.constant 2 : i32
    "tpu.region"() ({
      %run_scoped3A_21 = tpu.sem_alloc : memref<!tpu.dma_semaphore, #tpu.memory_space<semaphore_mem>>
      %dma_start3A = arith.constant 0 : i32
      %dma_start3A_22 = tpu.memref_slice %arg9[%run_scoped3A_17, %multiple_of3A_15, %dma_start3A] : memref<6x65536x128xf32, #tpu.memory_space<hbm>> -> memref<1x256x128xf32, #tpu.memory_space<hbm>>
      %dma_start3A_23 = tpu.memref_squeeze %dma_start3A_22 : memref<1x256x128xf32, #tpu.memory_space<hbm>> -> memref<256x128xf32, #tpu.memory_space<hbm>>
      %dma_start3A_24 = arith.constant 0 : i32
      %dma_start3A_25 = tpu.memref_slice %arg9[%run_scoped3A_17, %multiple_of3A_15, %dma_start3A_24] : memref<6x65536x128xf32, #tpu.memory_space<hbm>> -> memref<1x256x128xf32, #tpu.memory_space<hbm>>
      %dma_start3A_26 = tpu.memref_squeeze %dma_start3A_25 : memref<1x256x128xf32, #tpu.memory_space<hbm>> -> memref<256x128xf32, #tpu.memory_space<hbm>>
      tpu.enqueue_dma source(%arg10 : memref<256x128xf32, #tpu.memory_space<vmem>>) target(%dma_start3A_26 : memref<256x128xf32, #tpu.memory_space<hbm>>) target_semaphore(%run_scoped3A_21 : memref<!tpu.dma_semaphore, #tpu.memory_space<semaphore_mem>>)
      %dma_wait3A = arith.constant 0 : i32
      %dma_wait3A_27 = tpu.memref_slice %arg9[%run_scoped3A_17, %multiple_of3A_15, %dma_wait3A] : memref<6x65536x128xf32, #tpu.memory_space<hbm>> -> memref<1x256x128xf32, #tpu.memory_space<hbm>>
      %dma_wait3A_28 = tpu.memref_squeeze %dma_wait3A_27 : memref<1x256x128xf32, #tpu.memory_space<hbm>> -> memref<256x128xf32, #tpu.memory_space<hbm>>
      %dma_wait3A_29 = arith.constant 0 : i32
      %dma_wait3A_30 = tpu.memref_slice %arg9[%run_scoped3A_17, %multiple_of3A_15, %dma_wait3A_29] : memref<6x65536x128xf32, #tpu.memory_space<hbm>> -> memref<1x256x128xf32, #tpu.memory_space<hbm>>
      %dma_wait3A_31 = tpu.memref_squeeze %dma_wait3A_30 : memref<1x256x128xf32, #tpu.memory_space<hbm>> -> memref<256x128xf32, #tpu.memory_space<hbm>>
      tpu.wait_dma2 semaphore(%run_scoped3A_21 : memref<!tpu.dma_semaphore, #tpu.memory_space<semaphore_mem>>) src(%arg10 : memref<256x128xf32, #tpu.memory_space<vmem>>) dst(%dma_wait3A_31 : memref<256x128xf32, #tpu.memory_space<hbm>>)
      tpu.yield
    }) : () -> ()
    "tpu.region"() ({
      %run_scoped3A_21 = tpu.sem_alloc : memref<!tpu.dma_semaphore, #tpu.memory_space<semaphore_mem>>
      %dma_start3A = arith.constant 0 : i32
      %dma_start3A_22 = tpu.memref_slice %arg5[%multiple_of3A, %dma_start3A] : memref<8192x128xf32, #tpu.memory_space<hbm>> -> memref<256x128xf32, #tpu.memory_space<hbm>>
      %dma_start3A_23 = arith.constant 0 : i32
      %dma_start3A_24 = tpu.memref_slice %arg5[%multiple_of3A, %dma_start3A_23] : memref<8192x128xf32, #tpu.memory_space<hbm>> -> memref<256x128xf32, #tpu.memory_space<hbm>>
      tpu.enqueue_dma source(%dma_start3A_24 : memref<256x128xf32, #tpu.memory_space<hbm>>) target(%arg10 : memref<256x128xf32, #tpu.memory_space<vmem>>) target_semaphore(%run_scoped3A_21 : memref<!tpu.dma_semaphore, #tpu.memory_space<semaphore_mem>>)
      %dma_wait3A = arith.constant 0 : i32
      %dma_wait3A_25 = tpu.memref_slice %arg5[%multiple_of3A, %dma_wait3A] : memref<8192x128xf32, #tpu.memory_space<hbm>> -> memref<256x128xf32, #tpu.memory_space<hbm>>
      %dma_wait3A_26 = arith.constant 0 : i32
      %dma_wait3A_27 = tpu.memref_slice %arg5[%multiple_of3A, %dma_wait3A_26] : memref<8192x128xf32, #tpu.memory_space<hbm>> -> memref<256x128xf32, #tpu.memory_space<hbm>>
      tpu.wait_dma2 semaphore(%run_scoped3A_21 : memref<!tpu.dma_semaphore, #tpu.memory_space<semaphore_mem>>) src(%dma_wait3A_27 : memref<256x128xf32, #tpu.memory_space<hbm>>) dst(%arg10 : memref<256x128xf32, #tpu.memory_space<vmem>>)
      tpu.yield
    }) : () -> ()
    %run_scoped3A_18 = arith.constant 3 : i32
    "tpu.region"() ({
      %run_scoped3A_21 = tpu.sem_alloc : memref<!tpu.dma_semaphore, #tpu.memory_space<semaphore_mem>>
      %dma_start3A = arith.constant 0 : i32
      %dma_start3A_22 = tpu.memref_slice %arg9[%run_scoped3A_18, %multiple_of3A_15, %dma_start3A] : memref<6x65536x128xf32, #tpu.memory_space<hbm>> -> memref<1x256x128xf32, #tpu.memory_space<hbm>>
      %dma_start3A_23 = tpu.memref_squeeze %dma_start3A_22 : memref<1x256x128xf32, #tpu.memory_space<hbm>> -> memref<256x128xf32, #tpu.memory_space<hbm>>
      %dma_start3A_24 = arith.constant 0 : i32
      %dma_start3A_25 = tpu.memref_slice %arg9[%run_scoped3A_18, %multiple_of3A_15, %dma_start3A_24] : memref<6x65536x128xf32, #tpu.memory_space<hbm>> -> memref<1x256x128xf32, #tpu.memory_space<hbm>>
      %dma_start3A_26 = tpu.memref_squeeze %dma_start3A_25 : memref<1x256x128xf32, #tpu.memory_space<hbm>> -> memref<256x128xf32, #tpu.memory_space<hbm>>
      tpu.enqueue_dma source(%arg10 : memref<256x128xf32, #tpu.memory_space<vmem>>) target(%dma_start3A_26 : memref<256x128xf32, #tpu.memory_space<hbm>>) target_semaphore(%run_scoped3A_21 : memref<!tpu.dma_semaphore, #tpu.memory_space<semaphore_mem>>)
      %dma_wait3A = arith.constant 0 : i32
      %dma_wait3A_27 = tpu.memref_slice %arg9[%run_scoped3A_18, %multiple_of3A_15, %dma_wait3A] : memref<6x65536x128xf32, #tpu.memory_space<hbm>> -> memref<1x256x128xf32, #tpu.memory_space<hbm>>
      %dma_wait3A_28 = tpu.memref_squeeze %dma_wait3A_27 : memref<1x256x128xf32, #tpu.memory_space<hbm>> -> memref<256x128xf32, #tpu.memory_space<hbm>>
      %dma_wait3A_29 = arith.constant 0 : i32
      %dma_wait3A_30 = tpu.memref_slice %arg9[%run_scoped3A_18, %multiple_of3A_15, %dma_wait3A_29] : memref<6x65536x128xf32, #tpu.memory_space<hbm>> -> memref<1x256x128xf32, #tpu.memory_space<hbm>>
      %dma_wait3A_31 = tpu.memref_squeeze %dma_wait3A_30 : memref<1x256x128xf32, #tpu.memory_space<hbm>> -> memref<256x128xf32, #tpu.memory_space<hbm>>
      tpu.wait_dma2 semaphore(%run_scoped3A_21 : memref<!tpu.dma_semaphore, #tpu.memory_space<semaphore_mem>>) src(%arg10 : memref<256x128xf32, #tpu.memory_space<vmem>>) dst(%dma_wait3A_31 : memref<256x128xf32, #tpu.memory_space<hbm>>)
      tpu.yield
    }) : () -> ()
    "tpu.region"() ({
      %run_scoped3A_21 = tpu.sem_alloc : memref<!tpu.dma_semaphore, #tpu.memory_space<semaphore_mem>>
      %dma_start3A = arith.constant 0 : i32
      %dma_start3A_22 = tpu.memref_slice %arg6[%multiple_of3A, %dma_start3A] : memref<8192x128xf32, #tpu.memory_space<hbm>> -> memref<256x128xf32, #tpu.memory_space<hbm>>
      %dma_start3A_23 = arith.constant 0 : i32
      %dma_start3A_24 = tpu.memref_slice %arg6[%multiple_of3A, %dma_start3A_23] : memref<8192x128xf32, #tpu.memory_space<hbm>> -> memref<256x128xf32, #tpu.memory_space<hbm>>
      tpu.enqueue_dma source(%dma_start3A_24 : memref<256x128xf32, #tpu.memory_space<hbm>>) target(%arg10 : memref<256x128xf32, #tpu.memory_space<vmem>>) target_semaphore(%run_scoped3A_21 : memref<!tpu.dma_semaphore, #tpu.memory_space<semaphore_mem>>)
      %dma_wait3A = arith.constant 0 : i32
      %dma_wait3A_25 = tpu.memref_slice %arg6[%multiple_of3A, %dma_wait3A] : memref<8192x128xf32, #tpu.memory_space<hbm>> -> memref<256x128xf32, #tpu.memory_space<hbm>>
      %dma_wait3A_26 = arith.constant 0 : i32
      %dma_wait3A_27 = tpu.memref_slice %arg6[%multiple_of3A, %dma_wait3A_26] : memref<8192x128xf32, #tpu.memory_space<hbm>> -> memref<256x128xf32, #tpu.memory_space<hbm>>
      tpu.wait_dma2 semaphore(%run_scoped3A_21 : memref<!tpu.dma_semaphore, #tpu.memory_space<semaphore_mem>>) src(%dma_wait3A_27 : memref<256x128xf32, #tpu.memory_space<hbm>>) dst(%arg10 : memref<256x128xf32, #tpu.memory_space<vmem>>)
      tpu.yield
    }) : () -> ()
    %run_scoped3A_19 = arith.constant 4 : i32
    "tpu.region"() ({
      %run_scoped3A_21 = tpu.sem_alloc : memref<!tpu.dma_semaphore, #tpu.memory_space<semaphore_mem>>
      %dma_start3A = arith.constant 0 : i32
      %dma_start3A_22 = tpu.memref_slice %arg9[%run_scoped3A_19, %multiple_of3A_15, %dma_start3A] : memref<6x65536x128xf32, #tpu.memory_space<hbm>> -> memref<1x256x128xf32, #tpu.memory_space<hbm>>
      %dma_start3A_23 = tpu.memref_squeeze %dma_start3A_22 : memref<1x256x128xf32, #tpu.memory_space<hbm>> -> memref<256x128xf32, #tpu.memory_space<hbm>>
      %dma_start3A_24 = arith.constant 0 : i32
      %dma_start3A_25 = tpu.memref_slice %arg9[%run_scoped3A_19, %multiple_of3A_15, %dma_start3A_24] : memref<6x65536x128xf32, #tpu.memory_space<hbm>> -> memref<1x256x128xf32, #tpu.memory_space<hbm>>
      %dma_start3A_26 = tpu.memref_squeeze %dma_start3A_25 : memref<1x256x128xf32, #tpu.memory_space<hbm>> -> memref<256x128xf32, #tpu.memory_space<hbm>>
      tpu.enqueue_dma source(%arg10 : memref<256x128xf32, #tpu.memory_space<vmem>>) target(%dma_start3A_26 : memref<256x128xf32, #tpu.memory_space<hbm>>) target_semaphore(%run_scoped3A_21 : memref<!tpu.dma_semaphore, #tpu.memory_space<semaphore_mem>>)
      %dma_wait3A = arith.constant 0 : i32
      %dma_wait3A_27 = tpu.memref_slice %arg9[%run_scoped3A_19, %multiple_of3A_15, %dma_wait3A] : memref<6x65536x128xf32, #tpu.memory_space<hbm>> -> memref<1x256x128xf32, #tpu.memory_space<hbm>>
      %dma_wait3A_28 = tpu.memref_squeeze %dma_wait3A_27 : memref<1x256x128xf32, #tpu.memory_space<hbm>> -> memref<256x128xf32, #tpu.memory_space<hbm>>
      %dma_wait3A_29 = arith.constant 0 : i32
      %dma_wait3A_30 = tpu.memref_slice %arg9[%run_scoped3A_19, %multiple_of3A_15, %dma_wait3A_29] : memref<6x65536x128xf32, #tpu.memory_space<hbm>> -> memref<1x256x128xf32, #tpu.memory_space<hbm>>
      %dma_wait3A_31 = tpu.memref_squeeze %dma_wait3A_30 : memref<1x256x128xf32, #tpu.memory_space<hbm>> -> memref<256x128xf32, #tpu.memory_space<hbm>>
      tpu.wait_dma2 semaphore(%run_scoped3A_21 : memref<!tpu.dma_semaphore, #tpu.memory_space<semaphore_mem>>) src(%arg10 : memref<256x128xf32, #tpu.memory_space<vmem>>) dst(%dma_wait3A_31 : memref<256x128xf32, #tpu.memory_space<hbm>>)
      tpu.yield
    }) : () -> ()
    "tpu.region"() ({
      %run_scoped3A_21 = tpu.sem_alloc : memref<!tpu.dma_semaphore, #tpu.memory_space<semaphore_mem>>
      %dma_start3A = arith.constant 0 : i32
      %dma_start3A_22 = tpu.memref_slice %arg7[%multiple_of3A, %dma_start3A] : memref<8192x128xf32, #tpu.memory_space<hbm>> -> memref<256x128xf32, #tpu.memory_space<hbm>>
      %dma_start3A_23 = arith.constant 0 : i32
      %dma_start3A_24 = tpu.memref_slice %arg7[%multiple_of3A, %dma_start3A_23] : memref<8192x128xf32, #tpu.memory_space<hbm>> -> memref<256x128xf32, #tpu.memory_space<hbm>>
      tpu.enqueue_dma source(%dma_start3A_24 : memref<256x128xf32, #tpu.memory_space<hbm>>) target(%arg10 : memref<256x128xf32, #tpu.memory_space<vmem>>) target_semaphore(%run_scoped3A_21 : memref<!tpu.dma_semaphore, #tpu.memory_space<semaphore_mem>>)
      %dma_wait3A = arith.constant 0 : i32
      %dma_wait3A_25 = tpu.memref_slice %arg7[%multiple_of3A, %dma_wait3A] : memref<8192x128xf32, #tpu.memory_space<hbm>> -> memref<256x128xf32, #tpu.memory_space<hbm>>
      %dma_wait3A_26 = arith.constant 0 : i32
      %dma_wait3A_27 = tpu.memref_slice %arg7[%multiple_of3A, %dma_wait3A_26] : memref<8192x128xf32, #tpu.memory_space<hbm>> -> memref<256x128xf32, #tpu.memory_space<hbm>>
      tpu.wait_dma2 semaphore(%run_scoped3A_21 : memref<!tpu.dma_semaphore, #tpu.memory_space<semaphore_mem>>) src(%dma_wait3A_27 : memref<256x128xf32, #tpu.memory_space<hbm>>) dst(%arg10 : memref<256x128xf32, #tpu.memory_space<vmem>>)
      tpu.yield
    }) : () -> ()
    %run_scoped3A_20 = arith.constant 5 : i32
    "tpu.region"() ({
      %run_scoped3A_21 = tpu.sem_alloc : memref<!tpu.dma_semaphore, #tpu.memory_space<semaphore_mem>>
      %dma_start3A = arith.constant 0 : i32
      %dma_start3A_22 = tpu.memref_slice %arg9[%run_scoped3A_20, %multiple_of3A_15, %dma_start3A] : memref<6x65536x128xf32, #tpu.memory_space<hbm>> -> memref<1x256x128xf32, #tpu.memory_space<hbm>>
      %dma_start3A_23 = tpu.memref_squeeze %dma_start3A_22 : memref<1x256x128xf32, #tpu.memory_space<hbm>> -> memref<256x128xf32, #tpu.memory_space<hbm>>
      %dma_start3A_24 = arith.constant 0 : i32
      %dma_start3A_25 = tpu.memref_slice %arg9[%run_scoped3A_20, %multiple_of3A_15, %dma_start3A_24] : memref<6x65536x128xf32, #tpu.memory_space<hbm>> -> memref<1x256x128xf32, #tpu.memory_space<hbm>>
      %dma_start3A_26 = tpu.memref_squeeze %dma_start3A_25 : memref<1x256x128xf32, #tpu.memory_space<hbm>> -> memref<256x128xf32, #tpu.memory_space<hbm>>
      tpu.enqueue_dma source(%arg10 : memref<256x128xf32, #tpu.memory_space<vmem>>) target(%dma_start3A_26 : memref<256x128xf32, #tpu.memory_space<hbm>>) target_semaphore(%run_scoped3A_21 : memref<!tpu.dma_semaphore, #tpu.memory_space<semaphore_mem>>)
      %dma_wait3A = arith.constant 0 : i32
      %dma_wait3A_27 = tpu.memref_slice %arg9[%run_scoped3A_20, %multiple_of3A_15, %dma_wait3A] : memref<6x65536x128xf32, #tpu.memory_space<hbm>> -> memref<1x256x128xf32, #tpu.memory_space<hbm>>
      %dma_wait3A_28 = tpu.memref_squeeze %dma_wait3A_27 : memref<1x256x128xf32, #tpu.memory_space<hbm>> -> memref<256x128xf32, #tpu.memory_space<hbm>>
      %dma_wait3A_29 = arith.constant 0 : i32
      %dma_wait3A_30 = tpu.memref_slice %arg9[%run_scoped3A_20, %multiple_of3A_15, %dma_wait3A_29] : memref<6x65536x128xf32, #tpu.memory_space<hbm>> -> memref<1x256x128xf32, #tpu.memory_space<hbm>>
      %dma_wait3A_31 = tpu.memref_squeeze %dma_wait3A_30 : memref<1x256x128xf32, #tpu.memory_space<hbm>> -> memref<256x128xf32, #tpu.memory_space<hbm>>
      tpu.wait_dma2 semaphore(%run_scoped3A_21 : memref<!tpu.dma_semaphore, #tpu.memory_space<semaphore_mem>>) src(%arg10 : memref<256x128xf32, #tpu.memory_space<vmem>>) dst(%dma_wait3A_31 : memref<256x128xf32, #tpu.memory_space<hbm>>)
      tpu.yield
    }) : () -> ()
    return
  }
}

module attributes {stable_mosaic.version = 14 : i64} {
  func.func @_tc_body(%arg0: i32, %arg1: memref<1xi32, #tpu.memory_space<smem>>, %arg2: memref<6x65536x128xf32, #tpu.memory_space<any>>, %arg3: memref<2048x128xf32, #tpu.memory_space<vmem>>, %arg4: memref<2048x128xf32, #tpu.memory_space<vmem>>, %arg5: memref<2048x128xf32, #tpu.memory_space<vmem>>, %arg6: memref<2048x128xf32, #tpu.memory_space<vmem>>, %arg7: memref<2048x128xf32, #tpu.memory_space<vmem>>, %arg8: memref<2048x128xf32, #tpu.memory_space<vmem>>, %arg9: memref<6x2048x128xf32, #tpu.memory_space<vmem>>) attributes {dimension_semantics = [#tpu.dimension_semantics<arbitrary>], iteration_bounds = array<i64: 32>, scalar_prefetch = 1 : i64, scratch_operands = 0 : i64, tpu.core_type = #tpu.core_type<tc>, window_params = [{}, {transform_indices = @transform_1, window_bounds = array<i64: 2048, 128>}, {transform_indices = @transform_2, window_bounds = array<i64: 2048, 128>}, {transform_indices = @transform_3, window_bounds = array<i64: 2048, 128>}, {transform_indices = @transform_4, window_bounds = array<i64: 2048, 128>}, {transform_indices = @transform_5, window_bounds = array<i64: 2048, 128>}, {transform_indices = @transform_6, window_bounds = array<i64: 2048, 128>}, {transform_indices = @transform_7, window_bounds = array<i64: 6, 2048, 128>}]} {
    %mul3A = arith.constant 2048 : i32
    %mul3A_0 = arith.muli %arg0, %mul3A : i32
    %get3A = arith.constant 0 : index
    %get3A_1 = memref.load %arg1[%get3A] : memref<1xi32, #tpu.memory_space<smem>>
    %sub3A = arith.subi %mul3A_0, %get3A_1 : i32
    %jit3A = arith.constant 65536 : i32
    %eq3A = arith.constant 0 : i32
    %eq3A_2 = arith.cmpi eq, %jit3A, %eq3A : i32
    %jit3A_3 = arith.constant 1 : i32
    %select_n3A = arith.select %eq3A_2, %jit3A_3, %jit3A : i32
    %rem3A = arith.remsi %sub3A, %select_n3A : i32
    %ne3A = arith.constant 0 : i32
    %ne3A_4 = arith.cmpi ne, %rem3A, %ne3A : i32
    %lt3A = arith.constant 0 : i32
    %lt3A_5 = arith.cmpi slt, %rem3A, %lt3A : i32
    %lt3A_6 = arith.constant 0 : i32
    %lt3A_7 = arith.cmpi slt, %select_n3A, %lt3A_6 : i32
    %ne3A_8 = arith.xori %lt3A_5, %lt3A_7 : i1
    %and3A = arith.andi %ne3A_8, %ne3A_4 : i1
    %add3A = arith.addi %rem3A, %select_n3A : i32
    %select_n3A_9 = arith.select %and3A, %add3A, %rem3A : i32
    %lt3A_10 = arith.constant 8192 : i32
    %lt3A_11 = arith.cmpi slt, %select_n3A_9, %lt3A_10 : i32
    %not3A = arith.constant true
    %not3A_12 = arith.xori %lt3A_11, %not3A : i1
    %convert_element_type3A = arith.extui %not3A_12 : i1 to i32
    %cond3A = arith.constant 0 : i32
    %cond3A_13 = arith.cmpi ne, %convert_element_type3A, %cond3A : i32
    scf.if %cond3A_13 {
      %get3A_14 = arith.constant 0 : index
      %get3A_15 = arith.constant 0 : index
      %get3A_16 = vector.load %arg3[%get3A_14, %get3A_15] : memref<2048x128xf32, #tpu.memory_space<vmem>>, vector<2048x128xf32>
      %swap3A = arith.constant 0 : index
      %swap3A_17 = arith.constant 0 : index
      %swap3A_18 = arith.constant 0 : index
      %swap3A_19 = vector.load %arg9[%swap3A, %swap3A_17, %swap3A_18] : memref<6x2048x128xf32, #tpu.memory_space<vmem>>, vector<1x2048x128xf32>
      %swap3A_20 = vector.shape_cast %swap3A_19 : vector<1x2048x128xf32> to vector<2048x128xf32>
      %swap3A_21 = vector.shape_cast %get3A_16 : vector<2048x128xf32> to vector<1x2048x128xf32>
      tpu.vector_store %arg9[%swap3A, %swap3A_17, %swap3A_18], %swap3A_21 {strides = array<i32>} : memref<6x2048x128xf32, #tpu.memory_space<vmem>>, vector<1x2048x128xf32>,
      %get3A_22 = arith.constant 0 : index
      %get3A_23 = arith.constant 0 : index
      %get3A_24 = vector.load %arg4[%get3A_22, %get3A_23] : memref<2048x128xf32, #tpu.memory_space<vmem>>, vector<2048x128xf32>
      %swap3A_25 = arith.constant 1 : index
      %swap3A_26 = arith.constant 0 : index
      %swap3A_27 = arith.constant 0 : index
      %swap3A_28 = vector.load %arg9[%swap3A_25, %swap3A_26, %swap3A_27] : memref<6x2048x128xf32, #tpu.memory_space<vmem>>, vector<1x2048x128xf32>
      %swap3A_29 = vector.shape_cast %swap3A_28 : vector<1x2048x128xf32> to vector<2048x128xf32>
      %swap3A_30 = vector.shape_cast %get3A_24 : vector<2048x128xf32> to vector<1x2048x128xf32>
      tpu.vector_store %arg9[%swap3A_25, %swap3A_26, %swap3A_27], %swap3A_30 {strides = array<i32>} : memref<6x2048x128xf32, #tpu.memory_space<vmem>>, vector<1x2048x128xf32>,
      %get3A_31 = arith.constant 0 : index
      %get3A_32 = arith.constant 0 : index
      %get3A_33 = vector.load %arg5[%get3A_31, %get3A_32] : memref<2048x128xf32, #tpu.memory_space<vmem>>, vector<2048x128xf32>
      %swap3A_34 = arith.constant 2 : index
      %swap3A_35 = arith.constant 0 : index
      %swap3A_36 = arith.constant 0 : index
      %swap3A_37 = vector.load %arg9[%swap3A_34, %swap3A_35, %swap3A_36] : memref<6x2048x128xf32, #tpu.memory_space<vmem>>, vector<1x2048x128xf32>
      %swap3A_38 = vector.shape_cast %swap3A_37 : vector<1x2048x128xf32> to vector<2048x128xf32>
      %swap3A_39 = vector.shape_cast %get3A_33 : vector<2048x128xf32> to vector<1x2048x128xf32>
      tpu.vector_store %arg9[%swap3A_34, %swap3A_35, %swap3A_36], %swap3A_39 {strides = array<i32>} : memref<6x2048x128xf32, #tpu.memory_space<vmem>>, vector<1x2048x128xf32>,
      %get3A_40 = arith.constant 0 : index
      %get3A_41 = arith.constant 0 : index
      %get3A_42 = vector.load %arg6[%get3A_40, %get3A_41] : memref<2048x128xf32, #tpu.memory_space<vmem>>, vector<2048x128xf32>
      %swap3A_43 = arith.constant 3 : index
      %swap3A_44 = arith.constant 0 : index
      %swap3A_45 = arith.constant 0 : index
      %swap3A_46 = vector.load %arg9[%swap3A_43, %swap3A_44, %swap3A_45] : memref<6x2048x128xf32, #tpu.memory_space<vmem>>, vector<1x2048x128xf32>
      %swap3A_47 = vector.shape_cast %swap3A_46 : vector<1x2048x128xf32> to vector<2048x128xf32>
      %swap3A_48 = vector.shape_cast %get3A_42 : vector<2048x128xf32> to vector<1x2048x128xf32>
      tpu.vector_store %arg9[%swap3A_43, %swap3A_44, %swap3A_45], %swap3A_48 {strides = array<i32>} : memref<6x2048x128xf32, #tpu.memory_space<vmem>>, vector<1x2048x128xf32>,
      %get3A_49 = arith.constant 0 : index
      %get3A_50 = arith.constant 0 : index
      %get3A_51 = vector.load %arg7[%get3A_49, %get3A_50] : memref<2048x128xf32, #tpu.memory_space<vmem>>, vector<2048x128xf32>
      %swap3A_52 = arith.constant 4 : index
      %swap3A_53 = arith.constant 0 : index
      %swap3A_54 = arith.constant 0 : index
      %swap3A_55 = vector.load %arg9[%swap3A_52, %swap3A_53, %swap3A_54] : memref<6x2048x128xf32, #tpu.memory_space<vmem>>, vector<1x2048x128xf32>
      %swap3A_56 = vector.shape_cast %swap3A_55 : vector<1x2048x128xf32> to vector<2048x128xf32>
      %swap3A_57 = vector.shape_cast %get3A_51 : vector<2048x128xf32> to vector<1x2048x128xf32>
      tpu.vector_store %arg9[%swap3A_52, %swap3A_53, %swap3A_54], %swap3A_57 {strides = array<i32>} : memref<6x2048x128xf32, #tpu.memory_space<vmem>>, vector<1x2048x128xf32>,
      %get3A_58 = arith.constant 0 : index
      %get3A_59 = arith.constant 0 : index
      %get3A_60 = vector.load %arg8[%get3A_58, %get3A_59] : memref<2048x128xf32, #tpu.memory_space<vmem>>, vector<2048x128xf32>
      %swap3A_61 = arith.constant 5 : index
      %swap3A_62 = arith.constant 0 : index
      %swap3A_63 = arith.constant 0 : index
      %swap3A_64 = vector.load %arg9[%swap3A_61, %swap3A_62, %swap3A_63] : memref<6x2048x128xf32, #tpu.memory_space<vmem>>, vector<1x2048x128xf32>
      %swap3A_65 = vector.shape_cast %swap3A_64 : vector<1x2048x128xf32> to vector<2048x128xf32>
      %swap3A_66 = vector.shape_cast %get3A_60 : vector<2048x128xf32> to vector<1x2048x128xf32>
      tpu.vector_store %arg9[%swap3A_61, %swap3A_62, %swap3A_63], %swap3A_66 {strides = array<i32>} : memref<6x2048x128xf32, #tpu.memory_space<vmem>>, vector<1x2048x128xf32>,
    } else {
    }
    return
  }
  func.func @transform_1(%arg0: i32, %arg1: memref<1xi32, #tpu.memory_space<smem>>) -> (i32, i32) {
    %mul3A = arith.constant 2048 : i32
    %mul3A_0 = arith.muli %arg0, %mul3A : i32
    %get3A = arith.constant 0 : index
    %get3A_1 = memref.load %arg1[%get3A] : memref<1xi32, #tpu.memory_space<smem>>
    %sub3A = arith.subi %mul3A_0, %get3A_1 : i32
    %jit3A = arith.constant 65536 : i32
    %eq3A = arith.constant 0 : i32
    %eq3A_2 = arith.cmpi eq, %jit3A, %eq3A : i32
    %jit3A_3 = arith.constant 1 : i32
    %select_n3A = arith.select %eq3A_2, %jit3A_3, %jit3A : i32
    %rem3A = arith.remsi %sub3A, %select_n3A : i32
    %ne3A = arith.constant 0 : i32
    %ne3A_4 = arith.cmpi ne, %rem3A, %ne3A : i32
    %lt3A = arith.constant 0 : i32
    %lt3A_5 = arith.cmpi slt, %rem3A, %lt3A : i32
    %lt3A_6 = arith.constant 0 : i32
    %lt3A_7 = arith.cmpi slt, %select_n3A, %lt3A_6 : i32
    %ne3A_8 = arith.xori %lt3A_5, %lt3A_7 : i1
    %and3A = arith.andi %ne3A_8, %ne3A_4 : i1
    %add3A = arith.addi %rem3A, %select_n3A : i32
    %select_n3A_9 = arith.select %and3A, %add3A, %rem3A : i32
    %lt3A_10 = arith.constant 8192 : i32
    %lt3A_11 = arith.cmpi slt, %select_n3A_9, %lt3A_10 : i32
    %get3A_12 = arith.constant 0 : index
    %get3A_13 = memref.load %arg1[%get3A_12] : memref<1xi32, #tpu.memory_space<smem>>
    %jit3A_14 = arith.constant 2048 : i32
    %div3A = arith.divsi %get3A_13, %jit3A_14 : i32
    %sign3A = arith.constant 0 : i32
    %sign3A_15 = arith.cmpi sgt, %get3A_13, %sign3A : i32
    %sign3A_16 = arith.extui %sign3A_15 : i1 to i32
    %sign3A_17 = arith.constant 0 : i32
    %sign3A_18 = arith.cmpi slt, %get3A_13, %sign3A_17 : i32
    %sign3A_19 = arith.extui %sign3A_18 : i1 to i32
    %sign3A_20 = arith.subi %sign3A_16, %sign3A_19 : i32
    %sign3A_21 = arith.constant 0 : i32
    %sign3A_22 = arith.cmpi sgt, %jit3A_14, %sign3A_21 : i32
    %sign3A_23 = arith.extui %sign3A_22 : i1 to i32
    %sign3A_24 = arith.constant 0 : i32
    %sign3A_25 = arith.cmpi slt, %jit3A_14, %sign3A_24 : i32
    %sign3A_26 = arith.extui %sign3A_25 : i1 to i32
    %sign3A_27 = arith.subi %sign3A_23, %sign3A_26 : i32
    %ne3A_28 = arith.cmpi ne, %sign3A_20, %sign3A_27 : i32
    %rem3A_29 = arith.remsi %get3A_13, %jit3A_14 : i32
    %ne3A_30 = arith.constant 0 : i32
    %ne3A_31 = arith.cmpi ne, %rem3A_29, %ne3A_30 : i32
    %and3A_32 = arith.andi %ne3A_28, %ne3A_31 : i1
    %sub3A_33 = arith.constant 1 : i32
    %sub3A_34 = arith.subi %div3A, %sub3A_33 : i32
    %select_n3A_35 = arith.select %and3A_32, %sub3A_34, %div3A : i32
    %sub3A_36 = arith.constant 1 : i32
    %sub3A_37 = arith.subi %select_n3A_35, %sub3A_36 : i32
    %jit3A_38 = arith.constant 32 : i32
    %eq3A_39 = arith.constant 0 : i32
    %eq3A_40 = arith.cmpi eq, %jit3A_38, %eq3A_39 : i32
    %jit3A_41 = arith.constant 1 : i32
    %select_n3A_42 = arith.select %eq3A_40, %jit3A_41, %jit3A_38 : i32
    %rem3A_43 = arith.remsi %sub3A_37, %select_n3A_42 : i32
    %ne3A_44 = arith.constant 0 : i32
    %ne3A_45 = arith.cmpi ne, %rem3A_43, %ne3A_44 : i32
    %lt3A_46 = arith.constant 0 : i32
    %lt3A_47 = arith.cmpi slt, %rem3A_43, %lt3A_46 : i32
    %lt3A_48 = arith.constant 0 : i32
    %lt3A_49 = arith.cmpi slt, %select_n3A_42, %lt3A_48 : i32
    %ne3A_50 = arith.xori %lt3A_47, %lt3A_49 : i1
    %and3A_51 = arith.andi %ne3A_50, %ne3A_45 : i1
    %add3A_52 = arith.addi %rem3A_43, %select_n3A_42 : i32
    %select_n3A_53 = arith.select %and3A_51, %add3A_52, %rem3A_43 : i32
    %select_n3A_54 = arith.select %lt3A_11, %select_n3A_53, %arg0 : i32
    %c0_i32 = arith.constant 0 : i32
    %c0_i32_55 = arith.constant 0 : i32
    return %select_n3A_54, %c0_i32 : i32, i32
  }
  func.func @transform_2(%arg0: i32, %arg1: memref<1xi32, #tpu.memory_space<smem>>) -> (i32, i32) {
    %mul3A = arith.constant 2048 : i32
    %mul3A_0 = arith.muli %arg0, %mul3A : i32
    %get3A = arith.constant 0 : index
    %get3A_1 = memref.load %arg1[%get3A] : memref<1xi32, #tpu.memory_space<smem>>
    %sub3A = arith.subi %mul3A_0, %get3A_1 : i32
    %jit3A = arith.constant 65536 : i32
    %eq3A = arith.constant 0 : i32
    %eq3A_2 = arith.cmpi eq, %jit3A, %eq3A : i32
    %jit3A_3 = arith.constant 1 : i32
    %select_n3A = arith.select %eq3A_2, %jit3A_3, %jit3A : i32
    %rem3A = arith.remsi %sub3A, %select_n3A : i32
    %ne3A = arith.constant 0 : i32
    %ne3A_4 = arith.cmpi ne, %rem3A, %ne3A : i32
    %lt3A = arith.constant 0 : i32
    %lt3A_5 = arith.cmpi slt, %rem3A, %lt3A : i32
    %lt3A_6 = arith.constant 0 : i32
    %lt3A_7 = arith.cmpi slt, %select_n3A, %lt3A_6 : i32
    %ne3A_8 = arith.xori %lt3A_5, %lt3A_7 : i1
    %and3A = arith.andi %ne3A_8, %ne3A_4 : i1
    %add3A = arith.addi %rem3A, %select_n3A : i32
    %select_n3A_9 = arith.select %and3A, %add3A, %rem3A : i32
    %lt3A_10 = arith.constant 8192 : i32
    %lt3A_11 = arith.cmpi slt, %select_n3A_9, %lt3A_10 : i32
    %get3A_12 = arith.constant 0 : index
    %get3A_13 = memref.load %arg1[%get3A_12] : memref<1xi32, #tpu.memory_space<smem>>
    %jit3A_14 = arith.constant 2048 : i32
    %div3A = arith.divsi %get3A_13, %jit3A_14 : i32
    %sign3A = arith.constant 0 : i32
    %sign3A_15 = arith.cmpi sgt, %get3A_13, %sign3A : i32
    %sign3A_16 = arith.extui %sign3A_15 : i1 to i32
    %sign3A_17 = arith.constant 0 : i32
    %sign3A_18 = arith.cmpi slt, %get3A_13, %sign3A_17 : i32
    %sign3A_19 = arith.extui %sign3A_18 : i1 to i32
    %sign3A_20 = arith.subi %sign3A_16, %sign3A_19 : i32
    %sign3A_21 = arith.constant 0 : i32
    %sign3A_22 = arith.cmpi sgt, %jit3A_14, %sign3A_21 : i32
    %sign3A_23 = arith.extui %sign3A_22 : i1 to i32
    %sign3A_24 = arith.constant 0 : i32
    %sign3A_25 = arith.cmpi slt, %jit3A_14, %sign3A_24 : i32
    %sign3A_26 = arith.extui %sign3A_25 : i1 to i32
    %sign3A_27 = arith.subi %sign3A_23, %sign3A_26 : i32
    %ne3A_28 = arith.cmpi ne, %sign3A_20, %sign3A_27 : i32
    %rem3A_29 = arith.remsi %get3A_13, %jit3A_14 : i32
    %ne3A_30 = arith.constant 0 : i32
    %ne3A_31 = arith.cmpi ne, %rem3A_29, %ne3A_30 : i32
    %and3A_32 = arith.andi %ne3A_28, %ne3A_31 : i1
    %sub3A_33 = arith.constant 1 : i32
    %sub3A_34 = arith.subi %div3A, %sub3A_33 : i32
    %select_n3A_35 = arith.select %and3A_32, %sub3A_34, %div3A : i32
    %sub3A_36 = arith.constant 1 : i32
    %sub3A_37 = arith.subi %select_n3A_35, %sub3A_36 : i32
    %jit3A_38 = arith.constant 32 : i32
    %eq3A_39 = arith.constant 0 : i32
    %eq3A_40 = arith.cmpi eq, %jit3A_38, %eq3A_39 : i32
    %jit3A_41 = arith.constant 1 : i32
    %select_n3A_42 = arith.select %eq3A_40, %jit3A_41, %jit3A_38 : i32
    %rem3A_43 = arith.remsi %sub3A_37, %select_n3A_42 : i32
    %ne3A_44 = arith.constant 0 : i32
    %ne3A_45 = arith.cmpi ne, %rem3A_43, %ne3A_44 : i32
    %lt3A_46 = arith.constant 0 : i32
    %lt3A_47 = arith.cmpi slt, %rem3A_43, %lt3A_46 : i32
    %lt3A_48 = arith.constant 0 : i32
    %lt3A_49 = arith.cmpi slt, %select_n3A_42, %lt3A_48 : i32
    %ne3A_50 = arith.xori %lt3A_47, %lt3A_49 : i1
    %and3A_51 = arith.andi %ne3A_50, %ne3A_45 : i1
    %add3A_52 = arith.addi %rem3A_43, %select_n3A_42 : i32
    %select_n3A_53 = arith.select %and3A_51, %add3A_52, %rem3A_43 : i32
    %select_n3A_54 = arith.select %lt3A_11, %select_n3A_53, %arg0 : i32
    %c0_i32 = arith.constant 0 : i32
    %c0_i32_55 = arith.constant 0 : i32
    return %select_n3A_54, %c0_i32 : i32, i32
  }
  func.func @transform_3(%arg0: i32, %arg1: memref<1xi32, #tpu.memory_space<smem>>) -> (i32, i32) {
    %mul3A = arith.constant 2048 : i32
    %mul3A_0 = arith.muli %arg0, %mul3A : i32
    %get3A = arith.constant 0 : index
    %get3A_1 = memref.load %arg1[%get3A] : memref<1xi32, #tpu.memory_space<smem>>
    %sub3A = arith.subi %mul3A_0, %get3A_1 : i32
    %jit3A = arith.constant 65536 : i32
    %eq3A = arith.constant 0 : i32
    %eq3A_2 = arith.cmpi eq, %jit3A, %eq3A : i32
    %jit3A_3 = arith.constant 1 : i32
    %select_n3A = arith.select %eq3A_2, %jit3A_3, %jit3A : i32
    %rem3A = arith.remsi %sub3A, %select_n3A : i32
    %ne3A = arith.constant 0 : i32
    %ne3A_4 = arith.cmpi ne, %rem3A, %ne3A : i32
    %lt3A = arith.constant 0 : i32
    %lt3A_5 = arith.cmpi slt, %rem3A, %lt3A : i32
    %lt3A_6 = arith.constant 0 : i32
    %lt3A_7 = arith.cmpi slt, %select_n3A, %lt3A_6 : i32
    %ne3A_8 = arith.xori %lt3A_5, %lt3A_7 : i1
    %and3A = arith.andi %ne3A_8, %ne3A_4 : i1
    %add3A = arith.addi %rem3A, %select_n3A : i32
    %select_n3A_9 = arith.select %and3A, %add3A, %rem3A : i32
    %lt3A_10 = arith.constant 8192 : i32
    %lt3A_11 = arith.cmpi slt, %select_n3A_9, %lt3A_10 : i32
    %get3A_12 = arith.constant 0 : index
    %get3A_13 = memref.load %arg1[%get3A_12] : memref<1xi32, #tpu.memory_space<smem>>
    %jit3A_14 = arith.constant 2048 : i32
    %div3A = arith.divsi %get3A_13, %jit3A_14 : i32
    %sign3A = arith.constant 0 : i32
    %sign3A_15 = arith.cmpi sgt, %get3A_13, %sign3A : i32
    %sign3A_16 = arith.extui %sign3A_15 : i1 to i32
    %sign3A_17 = arith.constant 0 : i32
    %sign3A_18 = arith.cmpi slt, %get3A_13, %sign3A_17 : i32
    %sign3A_19 = arith.extui %sign3A_18 : i1 to i32
    %sign3A_20 = arith.subi %sign3A_16, %sign3A_19 : i32
    %sign3A_21 = arith.constant 0 : i32
    %sign3A_22 = arith.cmpi sgt, %jit3A_14, %sign3A_21 : i32
    %sign3A_23 = arith.extui %sign3A_22 : i1 to i32
    %sign3A_24 = arith.constant 0 : i32
    %sign3A_25 = arith.cmpi slt, %jit3A_14, %sign3A_24 : i32
    %sign3A_26 = arith.extui %sign3A_25 : i1 to i32
    %sign3A_27 = arith.subi %sign3A_23, %sign3A_26 : i32
    %ne3A_28 = arith.cmpi ne, %sign3A_20, %sign3A_27 : i32
    %rem3A_29 = arith.remsi %get3A_13, %jit3A_14 : i32
    %ne3A_30 = arith.constant 0 : i32
    %ne3A_31 = arith.cmpi ne, %rem3A_29, %ne3A_30 : i32
    %and3A_32 = arith.andi %ne3A_28, %ne3A_31 : i1
    %sub3A_33 = arith.constant 1 : i32
    %sub3A_34 = arith.subi %div3A, %sub3A_33 : i32
    %select_n3A_35 = arith.select %and3A_32, %sub3A_34, %div3A : i32
    %sub3A_36 = arith.constant 1 : i32
    %sub3A_37 = arith.subi %select_n3A_35, %sub3A_36 : i32
    %jit3A_38 = arith.constant 32 : i32
    %eq3A_39 = arith.constant 0 : i32
    %eq3A_40 = arith.cmpi eq, %jit3A_38, %eq3A_39 : i32
    %jit3A_41 = arith.constant 1 : i32
    %select_n3A_42 = arith.select %eq3A_40, %jit3A_41, %jit3A_38 : i32
    %rem3A_43 = arith.remsi %sub3A_37, %select_n3A_42 : i32
    %ne3A_44 = arith.constant 0 : i32
    %ne3A_45 = arith.cmpi ne, %rem3A_43, %ne3A_44 : i32
    %lt3A_46 = arith.constant 0 : i32
    %lt3A_47 = arith.cmpi slt, %rem3A_43, %lt3A_46 : i32
    %lt3A_48 = arith.constant 0 : i32
    %lt3A_49 = arith.cmpi slt, %select_n3A_42, %lt3A_48 : i32
    %ne3A_50 = arith.xori %lt3A_47, %lt3A_49 : i1
    %and3A_51 = arith.andi %ne3A_50, %ne3A_45 : i1
    %add3A_52 = arith.addi %rem3A_43, %select_n3A_42 : i32
    %select_n3A_53 = arith.select %and3A_51, %add3A_52, %rem3A_43 : i32
    %select_n3A_54 = arith.select %lt3A_11, %select_n3A_53, %arg0 : i32
    %c0_i32 = arith.constant 0 : i32
    %c0_i32_55 = arith.constant 0 : i32
    return %select_n3A_54, %c0_i32 : i32, i32
  }
  func.func @transform_4(%arg0: i32, %arg1: memref<1xi32, #tpu.memory_space<smem>>) -> (i32, i32) {
    %mul3A = arith.constant 2048 : i32
    %mul3A_0 = arith.muli %arg0, %mul3A : i32
    %get3A = arith.constant 0 : index
    %get3A_1 = memref.load %arg1[%get3A] : memref<1xi32, #tpu.memory_space<smem>>
    %sub3A = arith.subi %mul3A_0, %get3A_1 : i32
    %jit3A = arith.constant 65536 : i32
    %eq3A = arith.constant 0 : i32
    %eq3A_2 = arith.cmpi eq, %jit3A, %eq3A : i32
    %jit3A_3 = arith.constant 1 : i32
    %select_n3A = arith.select %eq3A_2, %jit3A_3, %jit3A : i32
    %rem3A = arith.remsi %sub3A, %select_n3A : i32
    %ne3A = arith.constant 0 : i32
    %ne3A_4 = arith.cmpi ne, %rem3A, %ne3A : i32
    %lt3A = arith.constant 0 : i32
    %lt3A_5 = arith.cmpi slt, %rem3A, %lt3A : i32
    %lt3A_6 = arith.constant 0 : i32
    %lt3A_7 = arith.cmpi slt, %select_n3A, %lt3A_6 : i32
    %ne3A_8 = arith.xori %lt3A_5, %lt3A_7 : i1
    %and3A = arith.andi %ne3A_8, %ne3A_4 : i1
    %add3A = arith.addi %rem3A, %select_n3A : i32
    %select_n3A_9 = arith.select %and3A, %add3A, %rem3A : i32
    %lt3A_10 = arith.constant 8192 : i32
    %lt3A_11 = arith.cmpi slt, %select_n3A_9, %lt3A_10 : i32
    %get3A_12 = arith.constant 0 : index
    %get3A_13 = memref.load %arg1[%get3A_12] : memref<1xi32, #tpu.memory_space<smem>>
    %jit3A_14 = arith.constant 2048 : i32
    %div3A = arith.divsi %get3A_13, %jit3A_14 : i32
    %sign3A = arith.constant 0 : i32
    %sign3A_15 = arith.cmpi sgt, %get3A_13, %sign3A : i32
    %sign3A_16 = arith.extui %sign3A_15 : i1 to i32
    %sign3A_17 = arith.constant 0 : i32
    %sign3A_18 = arith.cmpi slt, %get3A_13, %sign3A_17 : i32
    %sign3A_19 = arith.extui %sign3A_18 : i1 to i32
    %sign3A_20 = arith.subi %sign3A_16, %sign3A_19 : i32
    %sign3A_21 = arith.constant 0 : i32
    %sign3A_22 = arith.cmpi sgt, %jit3A_14, %sign3A_21 : i32
    %sign3A_23 = arith.extui %sign3A_22 : i1 to i32
    %sign3A_24 = arith.constant 0 : i32
    %sign3A_25 = arith.cmpi slt, %jit3A_14, %sign3A_24 : i32
    %sign3A_26 = arith.extui %sign3A_25 : i1 to i32
    %sign3A_27 = arith.subi %sign3A_23, %sign3A_26 : i32
    %ne3A_28 = arith.cmpi ne, %sign3A_20, %sign3A_27 : i32
    %rem3A_29 = arith.remsi %get3A_13, %jit3A_14 : i32
    %ne3A_30 = arith.constant 0 : i32
    %ne3A_31 = arith.cmpi ne, %rem3A_29, %ne3A_30 : i32
    %and3A_32 = arith.andi %ne3A_28, %ne3A_31 : i1
    %sub3A_33 = arith.constant 1 : i32
    %sub3A_34 = arith.subi %div3A, %sub3A_33 : i32
    %select_n3A_35 = arith.select %and3A_32, %sub3A_34, %div3A : i32
    %sub3A_36 = arith.constant 1 : i32
    %sub3A_37 = arith.subi %select_n3A_35, %sub3A_36 : i32
    %jit3A_38 = arith.constant 32 : i32
    %eq3A_39 = arith.constant 0 : i32
    %eq3A_40 = arith.cmpi eq, %jit3A_38, %eq3A_39 : i32
    %jit3A_41 = arith.constant 1 : i32
    %select_n3A_42 = arith.select %eq3A_40, %jit3A_41, %jit3A_38 : i32
    %rem3A_43 = arith.remsi %sub3A_37, %select_n3A_42 : i32
    %ne3A_44 = arith.constant 0 : i32
    %ne3A_45 = arith.cmpi ne, %rem3A_43, %ne3A_44 : i32
    %lt3A_46 = arith.constant 0 : i32
    %lt3A_47 = arith.cmpi slt, %rem3A_43, %lt3A_46 : i32
    %lt3A_48 = arith.constant 0 : i32
    %lt3A_49 = arith.cmpi slt, %select_n3A_42, %lt3A_48 : i32
    %ne3A_50 = arith.xori %lt3A_47, %lt3A_49 : i1
    %and3A_51 = arith.andi %ne3A_50, %ne3A_45 : i1
    %add3A_52 = arith.addi %rem3A_43, %select_n3A_42 : i32
    %select_n3A_53 = arith.select %and3A_51, %add3A_52, %rem3A_43 : i32
    %select_n3A_54 = arith.select %lt3A_11, %select_n3A_53, %arg0 : i32
    %c0_i32 = arith.constant 0 : i32
    %c0_i32_55 = arith.constant 0 : i32
    return %select_n3A_54, %c0_i32 : i32, i32
  }
  func.func @transform_5(%arg0: i32, %arg1: memref<1xi32, #tpu.memory_space<smem>>) -> (i32, i32) {
    %mul3A = arith.constant 2048 : i32
    %mul3A_0 = arith.muli %arg0, %mul3A : i32
    %get3A = arith.constant 0 : index
    %get3A_1 = memref.load %arg1[%get3A] : memref<1xi32, #tpu.memory_space<smem>>
    %sub3A = arith.subi %mul3A_0, %get3A_1 : i32
    %jit3A = arith.constant 65536 : i32
    %eq3A = arith.constant 0 : i32
    %eq3A_2 = arith.cmpi eq, %jit3A, %eq3A : i32
    %jit3A_3 = arith.constant 1 : i32
    %select_n3A = arith.select %eq3A_2, %jit3A_3, %jit3A : i32
    %rem3A = arith.remsi %sub3A, %select_n3A : i32
    %ne3A = arith.constant 0 : i32
    %ne3A_4 = arith.cmpi ne, %rem3A, %ne3A : i32
    %lt3A = arith.constant 0 : i32
    %lt3A_5 = arith.cmpi slt, %rem3A, %lt3A : i32
    %lt3A_6 = arith.constant 0 : i32
    %lt3A_7 = arith.cmpi slt, %select_n3A, %lt3A_6 : i32
    %ne3A_8 = arith.xori %lt3A_5, %lt3A_7 : i1
    %and3A = arith.andi %ne3A_8, %ne3A_4 : i1
    %add3A = arith.addi %rem3A, %select_n3A : i32
    %select_n3A_9 = arith.select %and3A, %add3A, %rem3A : i32
    %lt3A_10 = arith.constant 8192 : i32
    %lt3A_11 = arith.cmpi slt, %select_n3A_9, %lt3A_10 : i32
    %get3A_12 = arith.constant 0 : index
    %get3A_13 = memref.load %arg1[%get3A_12] : memref<1xi32, #tpu.memory_space<smem>>
    %jit3A_14 = arith.constant 2048 : i32
    %div3A = arith.divsi %get3A_13, %jit3A_14 : i32
    %sign3A = arith.constant 0 : i32
    %sign3A_15 = arith.cmpi sgt, %get3A_13, %sign3A : i32
    %sign3A_16 = arith.extui %sign3A_15 : i1 to i32
    %sign3A_17 = arith.constant 0 : i32
    %sign3A_18 = arith.cmpi slt, %get3A_13, %sign3A_17 : i32
    %sign3A_19 = arith.extui %sign3A_18 : i1 to i32
    %sign3A_20 = arith.subi %sign3A_16, %sign3A_19 : i32
    %sign3A_21 = arith.constant 0 : i32
    %sign3A_22 = arith.cmpi sgt, %jit3A_14, %sign3A_21 : i32
    %sign3A_23 = arith.extui %sign3A_22 : i1 to i32
    %sign3A_24 = arith.constant 0 : i32
    %sign3A_25 = arith.cmpi slt, %jit3A_14, %sign3A_24 : i32
    %sign3A_26 = arith.extui %sign3A_25 : i1 to i32
    %sign3A_27 = arith.subi %sign3A_23, %sign3A_26 : i32
    %ne3A_28 = arith.cmpi ne, %sign3A_20, %sign3A_27 : i32
    %rem3A_29 = arith.remsi %get3A_13, %jit3A_14 : i32
    %ne3A_30 = arith.constant 0 : i32
    %ne3A_31 = arith.cmpi ne, %rem3A_29, %ne3A_30 : i32
    %and3A_32 = arith.andi %ne3A_28, %ne3A_31 : i1
    %sub3A_33 = arith.constant 1 : i32
    %sub3A_34 = arith.subi %div3A, %sub3A_33 : i32
    %select_n3A_35 = arith.select %and3A_32, %sub3A_34, %div3A : i32
    %sub3A_36 = arith.constant 1 : i32
    %sub3A_37 = arith.subi %select_n3A_35, %sub3A_36 : i32
    %jit3A_38 = arith.constant 32 : i32
    %eq3A_39 = arith.constant 0 : i32
    %eq3A_40 = arith.cmpi eq, %jit3A_38, %eq3A_39 : i32
    %jit3A_41 = arith.constant 1 : i32
    %select_n3A_42 = arith.select %eq3A_40, %jit3A_41, %jit3A_38 : i32
    %rem3A_43 = arith.remsi %sub3A_37, %select_n3A_42 : i32
    %ne3A_44 = arith.constant 0 : i32
    %ne3A_45 = arith.cmpi ne, %rem3A_43, %ne3A_44 : i32
    %lt3A_46 = arith.constant 0 : i32
    %lt3A_47 = arith.cmpi slt, %rem3A_43, %lt3A_46 : i32
    %lt3A_48 = arith.constant 0 : i32
    %lt3A_49 = arith.cmpi slt, %select_n3A_42, %lt3A_48 : i32
    %ne3A_50 = arith.xori %lt3A_47, %lt3A_49 : i1
    %and3A_51 = arith.andi %ne3A_50, %ne3A_45 : i1
    %add3A_52 = arith.addi %rem3A_43, %select_n3A_42 : i32
    %select_n3A_53 = arith.select %and3A_51, %add3A_52, %rem3A_43 : i32
    %select_n3A_54 = arith.select %lt3A_11, %select_n3A_53, %arg0 : i32
    %c0_i32 = arith.constant 0 : i32
    %c0_i32_55 = arith.constant 0 : i32
    return %select_n3A_54, %c0_i32 : i32, i32
  }
  func.func @transform_6(%arg0: i32, %arg1: memref<1xi32, #tpu.memory_space<smem>>) -> (i32, i32) {
    %mul3A = arith.constant 2048 : i32
    %mul3A_0 = arith.muli %arg0, %mul3A : i32
    %get3A = arith.constant 0 : index
    %get3A_1 = memref.load %arg1[%get3A] : memref<1xi32, #tpu.memory_space<smem>>
    %sub3A = arith.subi %mul3A_0, %get3A_1 : i32
    %jit3A = arith.constant 65536 : i32
    %eq3A = arith.constant 0 : i32
    %eq3A_2 = arith.cmpi eq, %jit3A, %eq3A : i32
    %jit3A_3 = arith.constant 1 : i32
    %select_n3A = arith.select %eq3A_2, %jit3A_3, %jit3A : i32
    %rem3A = arith.remsi %sub3A, %select_n3A : i32
    %ne3A = arith.constant 0 : i32
    %ne3A_4 = arith.cmpi ne, %rem3A, %ne3A : i32
    %lt3A = arith.constant 0 : i32
    %lt3A_5 = arith.cmpi slt, %rem3A, %lt3A : i32
    %lt3A_6 = arith.constant 0 : i32
    %lt3A_7 = arith.cmpi slt, %select_n3A, %lt3A_6 : i32
    %ne3A_8 = arith.xori %lt3A_5, %lt3A_7 : i1
    %and3A = arith.andi %ne3A_8, %ne3A_4 : i1
    %add3A = arith.addi %rem3A, %select_n3A : i32
    %select_n3A_9 = arith.select %and3A, %add3A, %rem3A : i32
    %lt3A_10 = arith.constant 8192 : i32
    %lt3A_11 = arith.cmpi slt, %select_n3A_9, %lt3A_10 : i32
    %get3A_12 = arith.constant 0 : index
    %get3A_13 = memref.load %arg1[%get3A_12] : memref<1xi32, #tpu.memory_space<smem>>
    %jit3A_14 = arith.constant 2048 : i32
    %div3A = arith.divsi %get3A_13, %jit3A_14 : i32
    %sign3A = arith.constant 0 : i32
    %sign3A_15 = arith.cmpi sgt, %get3A_13, %sign3A : i32
    %sign3A_16 = arith.extui %sign3A_15 : i1 to i32
    %sign3A_17 = arith.constant 0 : i32
    %sign3A_18 = arith.cmpi slt, %get3A_13, %sign3A_17 : i32
    %sign3A_19 = arith.extui %sign3A_18 : i1 to i32
    %sign3A_20 = arith.subi %sign3A_16, %sign3A_19 : i32
    %sign3A_21 = arith.constant 0 : i32
    %sign3A_22 = arith.cmpi sgt, %jit3A_14, %sign3A_21 : i32
    %sign3A_23 = arith.extui %sign3A_22 : i1 to i32
    %sign3A_24 = arith.constant 0 : i32
    %sign3A_25 = arith.cmpi slt, %jit3A_14, %sign3A_24 : i32
    %sign3A_26 = arith.extui %sign3A_25 : i1 to i32
    %sign3A_27 = arith.subi %sign3A_23, %sign3A_26 : i32
    %ne3A_28 = arith.cmpi ne, %sign3A_20, %sign3A_27 : i32
    %rem3A_29 = arith.remsi %get3A_13, %jit3A_14 : i32
    %ne3A_30 = arith.constant 0 : i32
    %ne3A_31 = arith.cmpi ne, %rem3A_29, %ne3A_30 : i32
    %and3A_32 = arith.andi %ne3A_28, %ne3A_31 : i1
    %sub3A_33 = arith.constant 1 : i32
    %sub3A_34 = arith.subi %div3A, %sub3A_33 : i32
    %select_n3A_35 = arith.select %and3A_32, %sub3A_34, %div3A : i32
    %sub3A_36 = arith.constant 1 : i32
    %sub3A_37 = arith.subi %select_n3A_35, %sub3A_36 : i32
    %jit3A_38 = arith.constant 32 : i32
    %eq3A_39 = arith.constant 0 : i32
    %eq3A_40 = arith.cmpi eq, %jit3A_38, %eq3A_39 : i32
    %jit3A_41 = arith.constant 1 : i32
    %select_n3A_42 = arith.select %eq3A_40, %jit3A_41, %jit3A_38 : i32
    %rem3A_43 = arith.remsi %sub3A_37, %select_n3A_42 : i32
    %ne3A_44 = arith.constant 0 : i32
    %ne3A_45 = arith.cmpi ne, %rem3A_43, %ne3A_44 : i32
    %lt3A_46 = arith.constant 0 : i32
    %lt3A_47 = arith.cmpi slt, %rem3A_43, %lt3A_46 : i32
    %lt3A_48 = arith.constant 0 : i32
    %lt3A_49 = arith.cmpi slt, %select_n3A_42, %lt3A_48 : i32
    %ne3A_50 = arith.xori %lt3A_47, %lt3A_49 : i1
    %and3A_51 = arith.andi %ne3A_50, %ne3A_45 : i1
    %add3A_52 = arith.addi %rem3A_43, %select_n3A_42 : i32
    %select_n3A_53 = arith.select %and3A_51, %add3A_52, %rem3A_43 : i32
    %select_n3A_54 = arith.select %lt3A_11, %select_n3A_53, %arg0 : i32
    %c0_i32 = arith.constant 0 : i32
    %c0_i32_55 = arith.constant 0 : i32
    return %select_n3A_54, %c0_i32 : i32, i32
  }
  func.func @transform_7(%arg0: i32, %arg1: memref<1xi32, #tpu.memory_space<smem>>) -> (i32, i32, i32) {
    %mul3A = arith.constant 2048 : i32
    %mul3A_0 = arith.muli %arg0, %mul3A : i32
    %get3A = arith.constant 0 : index
    %get3A_1 = memref.load %arg1[%get3A] : memref<1xi32, #tpu.memory_space<smem>>
    %sub3A = arith.subi %mul3A_0, %get3A_1 : i32
    %jit3A = arith.constant 65536 : i32
    %eq3A = arith.constant 0 : i32
    %eq3A_2 = arith.cmpi eq, %jit3A, %eq3A : i32
    %jit3A_3 = arith.constant 1 : i32
    %select_n3A = arith.select %eq3A_2, %jit3A_3, %jit3A : i32
    %rem3A = arith.remsi %sub3A, %select_n3A : i32
    %ne3A = arith.constant 0 : i32
    %ne3A_4 = arith.cmpi ne, %rem3A, %ne3A : i32
    %lt3A = arith.constant 0 : i32
    %lt3A_5 = arith.cmpi slt, %rem3A, %lt3A : i32
    %lt3A_6 = arith.constant 0 : i32
    %lt3A_7 = arith.cmpi slt, %select_n3A, %lt3A_6 : i32
    %ne3A_8 = arith.xori %lt3A_5, %lt3A_7 : i1
    %and3A = arith.andi %ne3A_8, %ne3A_4 : i1
    %add3A = arith.addi %rem3A, %select_n3A : i32
    %select_n3A_9 = arith.select %and3A, %add3A, %rem3A : i32
    %lt3A_10 = arith.constant 8192 : i32
    %lt3A_11 = arith.cmpi slt, %select_n3A_9, %lt3A_10 : i32
    %get3A_12 = arith.constant 0 : index
    %get3A_13 = memref.load %arg1[%get3A_12] : memref<1xi32, #tpu.memory_space<smem>>
    %jit3A_14 = arith.constant 2048 : i32
    %div3A = arith.divsi %get3A_13, %jit3A_14 : i32
    %sign3A = arith.constant 0 : i32
    %sign3A_15 = arith.cmpi sgt, %get3A_13, %sign3A : i32
    %sign3A_16 = arith.extui %sign3A_15 : i1 to i32
    %sign3A_17 = arith.constant 0 : i32
    %sign3A_18 = arith.cmpi slt, %get3A_13, %sign3A_17 : i32
    %sign3A_19 = arith.extui %sign3A_18 : i1 to i32
    %sign3A_20 = arith.subi %sign3A_16, %sign3A_19 : i32
    %sign3A_21 = arith.constant 0 : i32
    %sign3A_22 = arith.cmpi sgt, %jit3A_14, %sign3A_21 : i32
    %sign3A_23 = arith.extui %sign3A_22 : i1 to i32
    %sign3A_24 = arith.constant 0 : i32
    %sign3A_25 = arith.cmpi slt, %jit3A_14, %sign3A_24 : i32
    %sign3A_26 = arith.extui %sign3A_25 : i1 to i32
    %sign3A_27 = arith.subi %sign3A_23, %sign3A_26 : i32
    %ne3A_28 = arith.cmpi ne, %sign3A_20, %sign3A_27 : i32
    %rem3A_29 = arith.remsi %get3A_13, %jit3A_14 : i32
    %ne3A_30 = arith.constant 0 : i32
    %ne3A_31 = arith.cmpi ne, %rem3A_29, %ne3A_30 : i32
    %and3A_32 = arith.andi %ne3A_28, %ne3A_31 : i1
    %sub3A_33 = arith.constant 1 : i32
    %sub3A_34 = arith.subi %div3A, %sub3A_33 : i32
    %select_n3A_35 = arith.select %and3A_32, %sub3A_34, %div3A : i32
    %sub3A_36 = arith.constant 1 : i32
    %sub3A_37 = arith.subi %select_n3A_35, %sub3A_36 : i32
    %jit3A_38 = arith.constant 32 : i32
    %eq3A_39 = arith.constant 0 : i32
    %eq3A_40 = arith.cmpi eq, %jit3A_38, %eq3A_39 : i32
    %jit3A_41 = arith.constant 1 : i32
    %select_n3A_42 = arith.select %eq3A_40, %jit3A_41, %jit3A_38 : i32
    %rem3A_43 = arith.remsi %sub3A_37, %select_n3A_42 : i32
    %ne3A_44 = arith.constant 0 : i32
    %ne3A_45 = arith.cmpi ne, %rem3A_43, %ne3A_44 : i32
    %lt3A_46 = arith.constant 0 : i32
    %lt3A_47 = arith.cmpi slt, %rem3A_43, %lt3A_46 : i32
    %lt3A_48 = arith.constant 0 : i32
    %lt3A_49 = arith.cmpi slt, %select_n3A_42, %lt3A_48 : i32
    %ne3A_50 = arith.xori %lt3A_47, %lt3A_49 : i1
    %and3A_51 = arith.andi %ne3A_50, %ne3A_45 : i1
    %add3A_52 = arith.addi %rem3A_43, %select_n3A_42 : i32
    %select_n3A_53 = arith.select %and3A_51, %add3A_52, %rem3A_43 : i32
    %select_n3A_54 = arith.select %lt3A_11, %select_n3A_53, %arg0 : i32
    %c0_i32 = arith.constant 0 : i32
    %c0_i32_55 = arith.constant 0 : i32
    %c0_i32_56 = arith.constant 0 : i32
    return %c0_i32, %select_n3A_54, %c0_i32_55 : i32, i32, i32
  }
}

</mosaic_0001>

<sc_bundles>
// kernel: kernel.4.cloned.1.call-start
scs
__scs_entry_jumppad:
0x0: {  	(pc) =	sbr.rel $0x88, $3  }
0x1: {  	(tag) =	ssettag $0x0;
	lr =	simm.s32 $0x1  }
0x2: {  	[smem:$0x3F94] =	sst lr;
	_ =	strace $0xD0000000  }
0x3: {  	_ = 	snop  }
0x4: {  	_ = 	snop  }
0x5: {  	_ = 	snop  }
0x6: {  	_ = 	snop  }
0x7: {  	_ = 	snop  }
__scs_overlays_trampoline_lowered:
0x8: {  	[smem:$0x3FA3] =	sst s0  }
0x9: {  	[smem:$0x3FA4] =	sst s1  }
0xa: {  	[smem:$0x3FA5] =	sst s2  }
0xb: {  	[smem:$0x3FA6] =	sst s3  }
0xc: {  	[smem:$0x3FA7] =	sst s4  }
0xd: {  	[smem:$0x3FA8] =	sst s5  }
0xe: {  	[smem:$0x3FA9] =	sst s6  }
0xf: {  	[smem:$0x3FAA] =	sst s7  }
0x10: {  	[smem:$0x3FAB] =	sst s8  }
0x11: {  	[smem:$0x3FAC] =	sst s9;
	s0 =	simm.s32 @!p0 $0x0  }
0x12: {  	s1 =	sld [smem:$0x3F92];
	s0 =	simm.s32 @p0 $0x1  }
0x13: {  	[smem:$0x3FAD] =	sst s0;
	s0 =	simm.s32 @!p1 $0x0  }
0x14: {  	s2 =	sld [smem:$0x3F91];
	s0 =	simm.s32 @p1 $0x1  }
0x15: {  	[smem:$0x3FAE] =	sst s0;
	s0 =	simm.s32 @!p2 $0x0  }
0x16: {  	s3 =	sld [smem:$0x3FDB];
	s0 =	simm.s32 @p2 $0x1  }
0x17: {  	s4 =	simm.s32 $0x1BF5;
	[smem:$0x3FB0] =	sst s0  }
0x18: {  	s0 =	sld [smem:$0x3F93];
	_ =	swait.ge [sflag:s4], $0x0  }
0x19: {  	s7 =	sld [smem:$0x3F94]  }
0x1a: {  	s8 =	sadd.s32 $0xFFFFE003, lr  }
0x1b: {  	s9 =	sadd.s32 $0xFFFFFEF7, lr;
	s5 =	simm.s32 $0xFFFFFFFF;
	p2 =	slt.u32 s8, $0xFFFFF086  }
0x1c: {  	p1 =	slt.u32 s9, $0xF7A;
	s5 =	simm.s32 @!p2 $0x0  }
0x1d: {  	s5 =	simm.s32 @p1 $0x1;
	p0 =	seq.s32 s7, s2  }
0x1e: {  	s7 =	smul.u32 @!p0 $0xF7A, s2;
	p2 =	seq.s32 @!p0 s5, $0x0  }
0x1f: {  	s9 =	smul.u32 $0xF7A, s1;
	s8 =	simm.s32 @!p0 $0x1BF5;
	p2 =	por !p2, p0  }
0x20: {  	[sflag:s8] =	ssyncset.s32 @!p0 $0xFFFFF086;
	s6 =	sadd.s32 @!p0 s3, s7;
	s7 =	simm.s32 @!p0 $0x108  }
0x21: {  	s3 =	sadd.s32 s3, s9;
	s6 =	sadd.s32 @!p0 $0x88, s6;
	s7 =	simm.s32 @p2 $0x1082  }
0x22: {  	[simem:s7], [sflag:s8] =	dma.local @!p0 [hbm:s6], $0xF7A  }
0x23: {  	s9 =	sor.u32 $0xD0000000, s2;
	s6 =	simm.s32 $0x108;
	_ =	swait.ge @!p0 [sflag:s8], $0x0  }
0x24: {  	s3 =	sadd.s32 $0x88, s3;
	s6 =	simm.s32 @!p1 $0x1082;
	[sflag:s4] =	ssyncset.s32 $0xFFFFF086  }
0x25: {  	[simem:s6], [sflag:s4] =	dma.local [hbm:s3], $0xF7A  }
0x26: {  	[smem:$0x3F94] =	sst s1;
	(tag) =	ssettag s2;
	_ =	strace s9  }
0x27: {  	s1 =	sld [smem:$0x3FA4]  }
0x28: {  	s2 =	sld [smem:$0x3FA5]  }
0x29: {  	s4 =	sld [smem:$0x3FA7]  }
0x2a: {  	p0 =	seq.s32 s5, $0x0;
	s5 =	sld [smem:$0x3FA8]  }
0x2b: {  	s6 =	sld [smem:$0x3FA9]  }
0x2c: {  	s7 =	sld [smem:$0x3FAA]  }
0x2d: {  	s3 =	simm.s32 $0x108;
	s8 =	sld [smem:$0x3FAB]  }
0x2e: {  	s3 =	simm.s32 @!p0 $0x1082;
	s9 =	sld [smem:$0x3FAC]  }
0x2f: {  	lr =	sadd.s32 s0, s3;
	s0 =	sld [smem:$0x3FA3]  }
0x30: {  	s3 =	sld [smem:$0x3FA6]  }
0x31: {  	[smem:$0x3FAF] =	sst s10  }
0x32: {  	s10 =	sld [smem:$0x3FAD];
	_ =	sdelay $0x3  }
0x33: {  	p0 =	seq.s32 s10, $0x1;
	s10 =	sld [smem:$0x3FAF];
	_ =	sdelay $0x3  }
0x34: {  	[smem:$0x3FAF] =	sst s10  }
0x35: {  	s10 =	sld [smem:$0x3FAE];
	_ =	sdelay $0x3  }
0x36: {  	p1 =	seq.s32 s10, $0x1;
	s10 =	sld [smem:$0x3FAF];
	_ =	sdelay $0x3  }
0x37: {  	[smem:$0x3FAF] =	sst s10  }
0x38: {  	s10 =	sld [smem:$0x3FB0]  }
0x39: {  	_ = 	snop;
	(pc) =	sbr.ind lr, $3  }
0x3a: {  	_ = 	snop  }
0x3b: {  	_ = 	snop  }
0x3c: {  	p2 =	seq.s32 s10, $0x1;
	s10 =	sld [smem:$0x3FAF]  }
0x3d: {  	_ =	shalt  }
0x3e: {  	_ =	shalt  }
0x3f: {  	_ =	shalt  }
0x40: {  	_ =	shalt  }
0x41: {  	_ =	shalt  }
0x42: {  	_ =	shalt  }
0x43: {  	_ =	shalt  }
0x44: {  	_ =	shalt  }
0x45: {  	_ =	shalt  }
0x46: {  	_ =	shalt  }
0x47: {  	_ =	shalt  }
0x48: {  	_ =	shalt  }
0x49: {  	_ =	shalt  }
0x4a: {  	_ =	shalt  }
0x4b: {  	_ =	shalt  }
0x4c: {  	_ =	shalt  }
0x4d: {  	_ =	shalt  }
0x4e: {  	_ =	shalt  }
0x4f: {  	_ =	shalt  }
0x50: {  	_ =	shalt  }
0x51: {  	_ =	shalt  }
0x52: {  	_ =	shalt  }
0x53: {  	_ =	shalt  }
0x54: {  	_ =	shalt  }
0x55: {  	_ =	shalt  }
0x56: {  	_ =	shalt  }
0x57: {  	_ =	shalt  }
0x58: {  	_ =	shalt  }
0x59: {  	_ =	shalt  }
0x5a: {  	_ =	shalt  }
0x5b: {  	_ =	shalt  }
0x5c: {  	_ =	shalt  }
0x5d: {  	_ =	shalt  }
0x5e: {  	_ =	shalt  }
0x5f: {  	_ =	shalt  }
0x60: {  	_ =	shalt  }
0x61: {  	_ =	shalt  }
0x62: {  	_ =	shalt  }
0x63: {  	_ =	shalt  }
0x64: {  	_ =	shalt  }
0x65: {  	_ =	shalt  }
0x66: {  	_ =	shalt  }
0x67: {  	_ =	shalt  }
0x68: {  	_ =	shalt  }
0x69: {  	_ =	shalt  }
0x6a: {  	_ =	shalt  }
0x6b: {  	_ =	shalt  }
0x6c: {  	_ =	shalt  }
0x6d: {  	_ =	shalt  }
0x6e: {  	_ =	shalt  }
0x6f: {  	_ =	shalt  }
0x70: {  	_ =	shalt  }
0x71: {  	_ =	shalt  }
0x72: {  	_ =	shalt  }
0x73: {  	_ =	shalt  }
0x74: {  	_ =	shalt  }
0x75: {  	_ =	shalt  }
0x76: {  	_ =	shalt  }
0x77: {  	_ =	shalt  }
0x78: {  	_ =	shalt  }
0x79: {  	_ =	shalt  }
0x7a: {  	_ =	shalt  }
0x7b: {  	_ =	shalt  }
0x7c: {  	_ =	shalt  }
0x7d: {  	_ =	shalt  }
0x7e: {  	_ =	shalt  }
0x7f: {  	_ =	shalt  }
0x80: {  	_ =	shalt  }
0x81: {  	_ =	shalt  }
0x82: {  	_ =	shalt  }
0x83: {  	_ =	shalt  }
0x84: {  	_ =	shalt  }
0x85: {  	_ =	shalt  }
0x86: {  	_ =	shalt  }
0x87: {  	_ =	shalt  }
.Lfunc_end0:
.L_simem_size_0:
called_computation_lowered:
.L_overlay_start_0:
0x88: {  	s2 =	sld [smem:$0x3FD9]  }
0x89: {  	s3 =	sld [smem:$0x3FFE];
	_ =	sdelay $0x1  }
0x8a: {  	s1 =	srdreg.scid  }
0x8b: {  	s0 =	sand.u32 $0x1, s1  }
0x8c: {  	s17 =	sshll.u32 s0, $0xA;
	s2 =	sadd.s32 s3, s2  }
0x8d: {  	s2 =	sadd.s32 s2, s17  }
0x8e: {  	[smem:$0x3FBB] =	sst s2  }
0x8f: {  	_ = 	snop  }
0x90: {  	s2 =	sld [smem:$0x3FC3]  }
0x91: {  	s18 =	sld [smem:$0x3FC2]  }
0x92: {  	s4 =	sld [smem:$0x3FC1]  }
0x93: {  	s5 =	sld [smem:$0x3FC0]  }
0x94: {  	s6 =	sld [smem:$0x3FBF]  }
0x95: {  	s7 =	sld [smem:$0x3FBE]  }
0x96: {  	s8 =	sld [smem:$0x3FD0];
	(tm) =	ssettm $0x1  }
0x97: {  	s9 =	sld [smem:$0x3FFB];
	_ =	sdelay $0x3  }
0x98: {  	_ =	strace s9  }
0x99: {  	s9 =	sld [smem:$0x3FFC];
	_ =	sdelay $0x3  }
0x9a: {  	_ =	strace s9  }
0x9b: {  	s9 =	sld [smem:$0x3FFD];
	_ =	sdelay $0x3  }
0x9c: {  	_ =	strace s9  }
0x9d: {  	_ =	strace $0x8FFFFFFF  }
0x9e: {  	s19 =	sld [smem:$0x3FDB];
	_ =	sdelay $0x1  }
0x9f: {  	s10 =	simm.s32 $_scs_section_size  }
0xa0: {  	s11 =	simm.s32 $_size__tile_overlayer_lowered;
	s12 =	simm.s32 $_tile_overlayer_lowered  }
0xa1: {  	s22 =	simm.s32 $0x1BFF;
	s21 =	sshll.u32 s12, $0x1;
	s9 =	sadd.s32 s10, s19  }
0xa2: {  	s13 =	simm.s32 $0x0;
	s20 =	sshll.u32 s11, $0x1;
	s11 =	sadd.s32 s21, s9  }
0xa3: {  	[timem:s13], [sflag:s22] =	dma.local [hbm:s11], s20  }
0xa4: {  	_ =	swait.ge [sflag:s22], s20  }
0xa5: {  	s10 =	ssub.s32 $0x0, s20;
	[sflag:s22] =	ssyncset.done $0x0  }
0xa6: {  	[sflag:s22] =	ssyncadd.s32 s10;
	_ =	sdelay $0x1  }
0xa7: {  	s23 =	simm.s32 $0x1B8B  }
0xa8: {  	_ =	swait.ge [sflag:s23], $0x1  }
0xa9: {  	[sflag:s23] =	ssyncset.done $0x0  }
0xaa: {  	s25 =	simm.s32 $0x1B8E;
	s24 =	sld [smem:$0x3FFE];
	[sflag:s23] =	ssyncadd.s32 $0xFFFFFFFF  }
0xab: {  	s26 =	simm.s32 $execute0_lowered;
	[smem:$0x3FD2] =	sst s25  }
0xac: {  	s11 =	sshll.u32 s26, $0x1;
	_ =	strace $0x80000046;
	[dreg:$0x1] =	wrdreg $0xFFFFFFFF  }
0xad: {  	s28 =	simm.s32 $_size_execute0_lowered;
	s9 =	sadd.s32 s9, s11;
	[dreg:$0x0] =	wrdreg $0x0  }
0xae: {  	s11 =	sshll.u32 s28, $0x1;
	[dreg:$0x2] =	wrdreg s9  }
0xaf: {  	[dreg:$0x3] =	wrdreg s11  }
0xb0: {  	[dreg:$0x4] =	wrdreg $0xC0  }
0xb1: {  	_ =	task [dreg:s13], $0x5FFFF  }
0xb2: {  	[dreg:$0x1] =	wrdreg $0xFFFFFFFF  }
0xb3: {  	[dreg:$0x0] =	wrdreg $0x60  }
0xb4: {  	[dreg:$0x2] =	wrdreg s2  }
0xb5: {  	[dreg:$0x3] =	wrdreg s18  }
0xb6: {  	[dreg:$0x4] =	wrdreg s4  }
0xb7: {  	[dreg:$0x5] =	wrdreg s5  }
0xb8: {  	[dreg:$0x6] =	wrdreg s6  }
0xb9: {  	[dreg:$0x7] =	wrdreg s7  }
0xba: {  	[dreg:$0x8] =	wrdreg s24  }
0xbb: {  	[dreg:$0x9] =	wrdreg s8  }
0xbc: {  	[dreg:$0xa] =	wrdreg $0x9  }
0xbd: {  	_ =	task.clear_ibuf [dreg:s13], $0xBFFFF;
	_ =	strace $0x90000046  }
0xbe: {  	s29 =	simm.s32 $0x9;
	_ =	strace $0x80000048  }
0xbf: {  	_ =	swait.ge [sflag:s29], $0x1  }
0xc0: {  	[sflag:s29] =	ssyncadd.s32 $0xFFFFFFFF  }
0xc1: {  	_ =	strace $0x90000048  }
0xc2: {  	_ =	sfence  }
0xc3: {  	s30 =	sld [smem:$0x0];
	_ =	sdelay $0x2  }
0xc4: {  	s31 =	sshll.u32 s1, $0xD;
	s1 =	sshrl.u32 s1, $0x2  }
0xc5: {  	s3 =	sand.u32 $0x4000, s31;
	s1 =	sadd.s32 s1, s30  }
0xc6: {  	s0 =	sor.u32 s3, s0;
	s1 =	sshll.u32 s1, $0x11  }
0xc7: {  	s0 =	sor.u32 s1, s0  }
0xc8: {  	s0 =	sadd.s32 $0x8F2B, s0  }
0xc9: {  	[sflag:s0] =	ssyncadd.remote.s32 $0x1  }
0xca: {  	_ =	sfence.sel $0xFFFF  }
0xcb: {  	[dreg:$0x0] =	wrdreg $0xFFFFFFFF;
	(pc) =	sbr.abs _section_cstart, $3  }
0xcc: {  	[dreg:$0x1] =	wrdreg $0xFFFFFFFF  }
0xcd: {  	_ =	task.clear_ibuf [dreg:s13], $0x2FFFF;
	_ =	strace $0x9FFFFFFF  }
0xce: {  	(tm) =	ssettm $0x7FFFFFFF  }
0xcf: {  	_ =	shalt  }
tec
execute0_lowered:
.L_overlay_start_1:
0x0: {  	(tag) =	ssettag $0x1  }
0x1: {  	s8 =	rddreg [dreg:$0x0]  }
0x2: {  	s9 =	rddreg [dreg:$0x1]  }
0x3: {  	s11 =	rddreg [dreg:$0x2]  }
0x4: {  	s13 =	rddreg [dreg:$0x3]  }
0x5: {  	s15 =	rddreg [dreg:$0x4]  }
0x6: {  	s17 =	rddreg [dreg:$0x5]  }
0x7: {  	s3 =	rddreg [dreg:$0x6]  }
0x8: {  	s1 =	rddreg [dreg:$0x7]  }
0x9: {  	s0 =	rddreg [dreg:$0x8];
	s2 =	simm.s32 $0x0  }
0xa: {  	s6 =	simm.s32 $0x8000;
	[smem:$0x7FF] =	sst s2  }
0xb: {  	s5 =	simm.s32 $0x1;
	s3 =	sadd.s32 $0x600, s3;
	_ =	strace $0x80000047  }
0xc: {  	[tilespmem:s6], [sflag:$0x1] =	stream.linear.gather [hbm4b:s3+s2], $0x80, $0x38;
	[tilespmem:$0x8080] =	vst v63  }
0xd: {  	s7 =	srdreg.scid;
	_ =	swait.ge [sflag:s5], $0x80  }
0xe: {  	s4 =	stileid.u32;
	s18 =	sand.u32 $0x1, s7;
	[sflag:s5] =	ssyncset.done $0x0  }
0xf: {  	s29 =	sshll.u32 s4, $0x9;
	s10 =	sshll.u32 s18, $0x8;
	[sflag:s5] =	ssyncadd.s32 $0xFFFFFF80  }
0x10: {  	s7 =	sor.u32 s10, s29;
	v0 =	vld [tilespmem:$0x8000]  }
0x11: {  	s19 =	sshll.u32 s7, $0x4  }
0x12: {  	s8 =	sadd.s32 s8, s19  }
0x13: {  	[tilespmem:s2], [sflag:$0x1] =	stream.linear.gather [hbm4b:s8+s2], $0x8000, $0x38;
	[tilespmem:$0x8080] =	vst v63  }
0x14: {  	_ =	swait.ge [sflag:s5], $0x8000  }
0x15: {  	(v2sf) =	vpush v0, $0x0;
	_ =	sdelay $0xe  }
0x16: {  	s30 =	spop (v2sf)  }
0x17: {  	s10 =	sadd.s32 s7, s30  }
0x18: {  	s10 =	sshll.u32 s10, $0x4  }
0x19: {  	[sflag:s5] =	ssyncset.done $0x0;
	s20 =	sand.u32 $0xFF000, s10  }
0x1a: {  	[sflag:s5] =	ssyncadd.s32 $0xFFFF8000;
	s10 =	sadd.s32 s1, s20  }
0x1b: {  	[hbm4b:s10+s2] =	stream.linear.scatter [tilespmem:s2], [sflag:$0x1], $0x8000, $0x38;
	[tilespmem:$0x8080] =	vst v63  }
0x1c: {  	_ =	swait.ge [sflag:s5], $0x8000  }
0x1d: {  	[sflag:s5] =	ssyncset.done $0x0  }
0x1e: {  	s9 =	sadd.s32 s9, s19;
	[sflag:s5] =	ssyncadd.s32 $0xFFFF8000  }
0x1f: {  	[tilespmem:s2], [sflag:$0x1] =	stream.linear.gather [hbm4b:s9+s2], $0x8000, $0x38;
	[tilespmem:$0x8080] =	vst v63  }
0x20: {  	_ =	swait.ge [sflag:s5], $0x8000  }
0x21: {  	s10 =	sadd.s32 $0x100000, s1;
	[sflag:s5] =	ssyncset.done $0x0  }
0x22: {  	s12 =	sadd.s32 s20, s10;
	[sflag:s5] =	ssyncadd.s32 $0xFFFF8000  }
0x23: {  	[hbm4b:s12+s2] =	stream.linear.scatter [tilespmem:s2], [sflag:$0x1], $0x8000, $0x38;
	[tilespmem:$0x8080] =	vst v63  }
0x24: {  	_ =	swait.ge [sflag:s5], $0x8000  }
0x25: {  	[sflag:s5] =	ssyncset.done $0x0  }
0x26: {  	s11 =	sadd.s32 s11, s19;
	[sflag:s5] =	ssyncadd.s32 $0xFFFF8000  }
0x27: {  	[tilespmem:s2], [sflag:$0x1] =	stream.linear.gather [hbm4b:s11+s2], $0x8000, $0x38;
	[tilespmem:$0x8080] =	vst v63  }
0x28: {  	_ =	swait.ge [sflag:s5], $0x8000  }
0x29: {  	s12 =	sadd.s32 $0x200000, s1;
	[sflag:s5] =	ssyncset.done $0x0  }
0x2a: {  	s14 =	sadd.s32 s20, s12;
	[sflag:s5] =	ssyncadd.s32 $0xFFFF8000  }
0x2b: {  	[hbm4b:s14+s2] =	stream.linear.scatter [tilespmem:s2], [sflag:$0x1], $0x8000, $0x38;
	[tilespmem:$0x8080] =	vst v63  }
0x2c: {  	_ =	swait.ge [sflag:s5], $0x8000  }
0x2d: {  	[sflag:s5] =	ssyncset.done $0x0  }
0x2e: {  	s13 =	sadd.s32 s13, s19;
	[sflag:s5] =	ssyncadd.s32 $0xFFFF8000  }
0x2f: {  	[tilespmem:s2], [sflag:$0x1] =	stream.linear.gather [hbm4b:s13+s2], $0x8000, $0x38;
	[tilespmem:$0x8080] =	vst v63  }
0x30: {  	_ =	swait.ge [sflag:s5], $0x8000  }
0x31: {  	s14 =	sadd.s32 $0x300000, s1;
	[sflag:s5] =	ssyncset.done $0x0  }
0x32: {  	s16 =	sadd.s32 s20, s14;
	[sflag:s5] =	ssyncadd.s32 $0xFFFF8000  }
0x33: {  	[hbm4b:s16+s2] =	stream.linear.scatter [tilespmem:s2], [sflag:$0x1], $0x8000, $0x38;
	[tilespmem:$0x8080] =	vst v63  }
0x34: {  	_ =	swait.ge [sflag:s5], $0x8000  }
0x35: {  	[sflag:s5] =	ssyncset.done $0x0  }
0x36: {  	s15 =	sadd.s32 s15, s19;
	[sflag:s5] =	ssyncadd.s32 $0xFFFF8000  }
0x37: {  	[tilespmem:s2], [sflag:$0x1] =	stream.linear.gather [hbm4b:s15+s2], $0x8000, $0x38;
	[tilespmem:$0x8080] =	vst v63  }
0x38: {  	_ =	swait.ge [sflag:s5], $0x8000  }
0x39: {  	s16 =	sadd.s32 $0x400000, s1;
	[sflag:s5] =	ssyncset.done $0x0  }
0x3a: {  	s18 =	ssub.s32 $0x2, s18;
	s21 =	sadd.s32 s20, s16;
	[sflag:s5] =	ssyncadd.s32 $0xFFFF8000  }
0x3b: {  	[hbm4b:s21+s2] =	stream.linear.scatter [tilespmem:s2], [sflag:$0x1], $0x8000, $0x38;
	[tilespmem:$0x8080] =	vst v63  }
0x3c: {  	s31 =	sshrl.u32 s18, $0x1;
	_ =	swait.ge [sflag:s5], $0x8000  }
0x3d: {  	s17 =	sadd.s32 s17, s19;
	s19 =	ssub.s32 s18, s31;
	[sflag:s5] =	ssyncset.done $0x0  }
0x3e: {  	s19 =	smax.u32 s19, $0x1;
	[sflag:s5] =	ssyncadd.s32 $0xFFFF8000  }
0x3f: {  	[tilespmem:s2], [sflag:$0x1] =	stream.linear.gather [hbm4b:s17+s2], $0x8000, $0x38;
	[tilespmem:$0x8080] =	vst v63  }
0x40: {  	p0 =	sne.s32 s19, $0x1;
	_ =	swait.ge [sflag:s5], $0x8000  }
.Ltmp0:
0x41: {  	s18 =	sadd.s32 $0x500000, s1;
	[sflag:s5] =	ssyncset.done $0x0;
	(pc) =	sbr.rel @!p0 .LBB2_2-.Ltmp0, $4  }
0x42: {  	s20 =	sadd.s32 s20, s18;
	[sflag:s5] =	ssyncadd.s32 $0xFFFF8000  }
0x43: {  	[hbm4b:s20+s2] =	stream.linear.scatter [tilespmem:s2], [sflag:$0x1], $0x8000, $0x38;
	[tilespmem:$0x8080] =	vst v63  }
0x44: {  	_ =	swait.ge [sflag:s5], $0x8000  }
0x45: {  	s19 =	sadd.s32 $0xFFFFFFFF, s19;
	[sflag:s5] =	ssyncset.done $0x0  }
.LBB2_1:
0x46: {  	p0 =	sne.s32 s19, $0x1;
	s19 =	sadd.s32 $0xFFFFFFFF, s19;
	[sflag:s5] =	ssyncadd.s32 $0xFFFF8000  }
0x47: {  	[tilespmem:s6], [sflag:$0x1] =	stream.linear.gather [hbm4b:s3+s2], $0x80, $0x38;
	[tilespmem:$0x8080] =	vst v63  }
0x48: {  	_ =	swait.ge [sflag:s5], $0x80  }
0x49: {  	[sflag:s5] =	ssyncset.done $0x0  }
0x4a: {  	[sflag:s5] =	ssyncadd.s32 $0xFFFFFF80  }
0x4b: {  	v0 =	vld [tilespmem:$0x8000]  }
0x4c: {  	[tilespmem:s2], [sflag:$0x1] =	stream.linear.gather [hbm4b:s8+s2], $0x8000, $0x38;
	[tilespmem:$0x8080] =	vst v63  }
0x4d: {  	_ =	swait.ge [sflag:s5], $0x8000;
	_ =	sdelay $0x2  }
0x4e: {  	(v2sf) =	vpush v0, $0x0;
	_ =	sdelay $0xe  }
0x4f: {  	s20 =	spop (v2sf)  }
0x50: {  	s20 =	sadd.s32 s7, s20  }
0x51: {  	s20 =	sshll.u32 s20, $0x4  }
0x52: {  	[sflag:s5] =	ssyncset.done $0x0;
	s20 =	sand.u32 $0xFF000, s20  }
0x53: {  	[sflag:s5] =	ssyncadd.s32 $0xFFFF8000;
	s21 =	sadd.s32 s1, s20  }
0x54: {  	[hbm4b:s21+s2] =	stream.linear.scatter [tilespmem:s2], [sflag:$0x1], $0x8000, $0x38;
	[tilespmem:$0x8080] =	vst v63  }
0x55: {  	_ =	swait.ge [sflag:s5], $0x8000  }
0x56: {  	[sflag:s5] =	ssyncset.done $0x0  }
0x57: {  	[sflag:s5] =	ssyncadd.s32 $0xFFFF8000  }
0x58: {  	[tilespmem:s2], [sflag:$0x1] =	stream.linear.gather [hbm4b:s9+s2], $0x8000, $0x38;
	[tilespmem:$0x8080] =	vst v63  }
0x59: {  	_ =	swait.ge [sflag:s5], $0x8000  }
0x5a: {  	[sflag:s5] =	ssyncset.done $0x0  }
0x5b: {  	s21 =	sadd.s32 s20, s10;
	[sflag:s5] =	ssyncadd.s32 $0xFFFF8000  }
0x5c: {  	[hbm4b:s21+s2] =	stream.linear.scatter [tilespmem:s2], [sflag:$0x1], $0x8000, $0x38;
	[tilespmem:$0x8080] =	vst v63  }
0x5d: {  	_ =	swait.ge [sflag:s5], $0x8000  }
0x5e: {  	[sflag:s5] =	ssyncset.done $0x0  }
0x5f: {  	[sflag:s5] =	ssyncadd.s32 $0xFFFF8000  }
0x60: {  	[tilespmem:s2], [sflag:$0x1] =	stream.linear.gather [hbm4b:s11+s2], $0x8000, $0x38;
	[tilespmem:$0x8080] =	vst v63  }
0x61: {  	_ =	swait.ge [sflag:s5], $0x8000  }
0x62: {  	[sflag:s5] =	ssyncset.done $0x0  }
0x63: {  	s21 =	sadd.s32 s20, s12;
	[sflag:s5] =	ssyncadd.s32 $0xFFFF8000  }
0x64: {  	[hbm4b:s21+s2] =	stream.linear.scatter [tilespmem:s2], [sflag:$0x1], $0x8000, $0x38;
	[tilespmem:$0x8080] =	vst v63  }
0x65: {  	_ =	swait.ge [sflag:s5], $0x8000  }
0x66: {  	[sflag:s5] =	ssyncset.done $0x0  }
0x67: {  	[sflag:s5] =	ssyncadd.s32 $0xFFFF8000  }
0x68: {  	[tilespmem:s2], [sflag:$0x1] =	stream.linear.gather [hbm4b:s13+s2], $0x8000, $0x38;
	[tilespmem:$0x8080] =	vst v63  }
0x69: {  	_ =	swait.ge [sflag:s5], $0x8000  }
0x6a: {  	[sflag:s5] =	ssyncset.done $0x0  }
0x6b: {  	s21 =	sadd.s32 s20, s14;
	[sflag:s5] =	ssyncadd.s32 $0xFFFF8000  }
0x6c: {  	[hbm4b:s21+s2] =	stream.linear.scatter [tilespmem:s2], [sflag:$0x1], $0x8000, $0x38;
	[tilespmem:$0x8080] =	vst v63  }
0x6d: {  	_ =	swait.ge [sflag:s5], $0x8000  }
0x6e: {  	[sflag:s5] =	ssyncset.done $0x0  }
0x6f: {  	[sflag:s5] =	ssyncadd.s32 $0xFFFF8000  }
0x70: {  	[tilespmem:s2], [sflag:$0x1] =	stream.linear.gather [hbm4b:s15+s2], $0x8000, $0x38;
	[tilespmem:$0x8080] =	vst v63  }
0x71: {  	_ =	swait.ge [sflag:s5], $0x8000  }
0x72: {  	[sflag:s5] =	ssyncset.done $0x0  }
0x73: {  	s21 =	sadd.s32 s20, s16;
	[sflag:s5] =	ssyncadd.s32 $0xFFFF8000  }
0x74: {  	[hbm4b:s21+s2] =	stream.linear.scatter [tilespmem:s2], [sflag:$0x1], $0x8000, $0x38;
	[tilespmem:$0x8080] =	vst v63  }
0x75: {  	_ =	swait.ge [sflag:s5], $0x8000  }
0x76: {  	[sflag:s5] =	ssyncset.done $0x0  }
0x77: {  	[sflag:s5] =	ssyncadd.s32 $0xFFFF8000  }
0x78: {  	[tilespmem:s2], [sflag:$0x1] =	stream.linear.gather [hbm4b:s17+s2], $0x8000, $0x38;
	[tilespmem:$0x8080] =	vst v63  }
0x79: {  	_ =	swait.ge [sflag:s5], $0x8000  }
.Ltmp1:
0x7a: {  	[sflag:s5] =	ssyncset.done $0x0;
	(pc) =	sbr.rel @p0 .LBB2_1-.Ltmp1, $4  }
0x7b: {  	s20 =	sadd.s32 s20, s18;
	[sflag:s5] =	ssyncadd.s32 $0xFFFF8000  }
0x7c: {  	[hbm4b:s20+s2] =	stream.linear.scatter [tilespmem:s2], [sflag:$0x1], $0x8000, $0x38;
	[tilespmem:$0x8080] =	vst v63  }
0x7d: {  	_ =	swait.ge [sflag:s5], $0x8000  }
0x7e: {  	[sflag:s5] =	ssyncset.done $0x0  }
.LBB2_2:
0x7f: {  	[sflag:s5] =	ssyncadd.s32 $0xFFFF8000  }
0x80: {  	_ =	sfence.sel $0x180000  }
0x81: {  	[bflag:$0x0] =	sbarrier.arrive $0xFFFF  }
0x82: {  	p0 =	sne.s32 s4, $0x0;
	_ =	strace $0x90000047  }
0x83: {  	s0 =	sadd.s32 @!p0 $0x100000, s0;
	[bflag:$0x2] =	sbarrier.arrive $0xFFFF  }
0x84: {  	[sflag:s0] =	ssyncadd.tile.s32 @!p0 $0x1;
	_ =	shalt  }
.Lfunc_end2:
_tile_overlayer_lowered:
.L_overlay_start_2:
0x85: {  	(tag) =	ssettag $0x2  }
0x86: {  	s0 =	rddreg [dreg:$0x0];
	s2 =	stileid.u32  }
0x87: {  	s1 =	rddreg [dreg:$0x1];
	p0 =	sne.s32 s2, $0x0  }
0x88: {  	s3 =	rddreg [dreg:$0x2];
	[bflag:$0x3] =	sbarrier.arrive $0xFFFF;
	s2 =	simm.s32 @!p0 $0x1C01  }
0x89: {  	[timem:s3], [sflag:s2] =	dma.local @!p0 [hbm:s0], s1  }
0x8a: {  	s0 =	simm.s32 @!p0 $0x1  }
0x8b: {  	_ =	swait.ge @!p0 [sflag:s0], s1  }
0x8c: {  	s1 =	ssub.s32 @!p0 $0x0, s1;
	[sflag:s0] =	ssyncset.done @!p0 $0x0  }
0x8d: {  	[sflag:s0] =	ssyncadd.s32 @!p0 s1  }
0x8e: {  	[bflag:$0x3] =	sbarrier.arrive $0xFFFF  }
0x8f: {  	_ =	shalt  }

</sc_bundles>
